<compile_context>
chip_gen: v7x
topology: tpu7x:2x2x1
jax: 0.10.2.dev20260603
libtpu: 0.0.44.dev20260713+nightly
codegen_flags: <defaults>
</compile_context>

<pallas_src>
import functools

import jax
import jax.numpy as jnp
from jax import lax
from jax.experimental import pallas as pl
from jax.experimental.pallas import tpu as pltpu
from jax.experimental.pallas import tpu_sc as plsc

N = 10000
NPAD = 10240
E = 320000
D = 128
NC = 2
NS = 16
NW = NC * NS
EK = 80
ROWS_W = E // (NW * EK)
EPT = ROWS_W * EK
RPT = NPAD // NS
BN = 400

_sc_mesh = plsc.VectorSubcoreMesh(core_axis_name="c", subcore_axis_name="s")



@functools.partial(
    pl.kernel,
    mesh=_sc_mesh,
    out_type=jax.ShapeDtypeStruct((NC, NPAD), jnp.float32),
    scratch_types=[
        pltpu.VMEM((ROWS_W, EK), jnp.int32),
        pltpu.VMEM((EK,), jnp.float32),
        pltpu.VMEM((RPT,), jnp.float32),
        pltpu.VMEM_SHARED((NPAD,), jnp.float32),
        pltpu.SemaphoreType.DMA,
    ],
)
def _sc_deg(edge_hbm, ones_hbm, deg_out, idx_v, ones_v, zv, deg_sh, dsem):
    c = lax.axis_index("c")
    s = lax.axis_index("s")
    w = c * NS + s
    pltpu.sync_copy(ones_hbm, ones_v)
    for j in range(RPT // 16):
        zv[pl.ds(j * 16, 16)] = jnp.zeros((16,), jnp.float32)
    pltpu.sync_copy(zv, deg_sh.at[pl.ds(s * RPT, RPT)])
    pltpu.sync_copy(edge_hbm.at[1, w], idx_v)
    plsc.subcore_barrier()

    def body(j, carry):
        pltpu.async_copy(ones_v, deg_sh.at[idx_v.at[j]], dsem, add=True)

        @pl.when(j >= 8)
        def _():
            pltpu.make_async_copy(ones_v, deg_sh.at[idx_v.at[j - 8]],
                                  dsem).wait()

        return carry

    lax.fori_loop(0, ROWS_W, body, 0)

    def drain(j, carry):
        pltpu.make_async_copy(ones_v, deg_sh.at[idx_v.at[j]], dsem).wait()
        return carry

    lax.fori_loop(ROWS_W - 8, ROWS_W, drain, 0)
    plsc.subcore_barrier()
    pltpu.sync_copy(deg_sh.at[pl.ds(s * RPT, RPT)],
                    deg_out.at[c, pl.ds(s * RPT, RPT)])



@functools.partial(
    pl.kernel,
    mesh=_sc_mesh,
    out_type=jax.ShapeDtypeStruct((NC, NPAD, D), jnp.float32),
    scratch_types=[
        pltpu.VMEM((EPT,), jnp.int32),
        pltpu.VMEM((ROWS_W, EK), jnp.int32),
        pltpu.VMEM((EK, D), jnp.float32),
        pltpu.VMEM((EK, D), jnp.float32),
        pltpu.VMEM_SHARED((NPAD, D), jnp.float32),
        pltpu.SemaphoreType.DMA,
        pltpu.SemaphoreType.DMA,
        pltpu.SemaphoreType.DMA,
        pltpu.SemaphoreType.DMA,
    ],
)
def _sc_scatter(g_hbm, src_hbm, edge_hbm, zeros_hbm, s_out, src_v, dst_v,
                rows0, rows1, s_sh, sem0, sem1, ssem0, ssem1):
    c = lax.axis_index("c")
    s = lax.axis_index("s")
    w = c * NS + s
    HK = EK // 2

    def _gather(cc, rows, sem):
        pltpu.async_copy(g_hbm.at[src_v.at[pl.ds(cc * EK, HK)]],
                         rows.at[pl.ds(0, HK)], sem)
        pltpu.async_copy(g_hbm.at[src_v.at[pl.ds(cc * EK + HK, HK)]],
                         rows.at[pl.ds(HK, HK)], sem)

    def _gwait(cc, rows, sem):
        pltpu.make_async_copy(g_hbm.at[src_v.at[pl.ds(cc * EK, HK)]],
                              rows.at[pl.ds(0, HK)], sem).wait()
        pltpu.make_async_copy(g_hbm.at[src_v.at[pl.ds(cc * EK + HK, HK)]],
                              rows.at[pl.ds(HK, HK)], sem).wait()

    pltpu.sync_copy(src_hbm.at[w], src_v)
    _gather(0, rows0, sem0)
    _gather(1, rows1, sem1)
    pltpu.sync_copy(edge_hbm.at[1, w], dst_v)
    pltpu.sync_copy(zeros_hbm.at[pl.ds(s * RPT, RPT)],
                    s_sh.at[pl.ds(s * RPT, RPT)])
    plsc.subcore_barrier()

    def body(jj, carry):
        c0 = jj * 2
        _gwait(c0, rows0, sem0)
        pltpu.sync_copy(rows0, s_sh.at[dst_v.at[c0]], add=True)

        @pl.when(c0 + 2 < ROWS_W)
        def _():
            _gather(c0 + 2, rows0, sem0)

        c1 = c0 + 1
        _gwait(c1, rows1, sem1)
        pltpu.sync_copy(rows1, s_sh.at[dst_v.at[c1]], add=True)

        @pl.when(c1 + 2 < ROWS_W)
        def _():
            _gather(c1 + 2, rows1, sem1)

        return carry

    lax.fori_loop(0, ROWS_W // 2, body, 0)

    cT = ROWS_W - 1
    _gwait(cT, rows0, sem0)
    pltpu.sync_copy(rows0, s_sh.at[dst_v.at[cT]], add=True)
    plsc.subcore_barrier()
    pltpu.sync_copy(s_sh.at[pl.ds(s * RPT, RPT)],
                    s_out.at[c, pl.ds(s * RPT, RPT)])



def _tc_prep_body(x_ref, w_ref, b_ref, deg_ref, g_ref, dinv_ref):
    h = jnp.dot(x_ref[...], w_ref[...],
                preferred_element_type=jnp.float32) + b_ref[...]
    nrm = jnp.sqrt(jnp.sum(h * h, axis=1, keepdims=True))
    h = h / jnp.maximum(nrm, 1e-12) * 1.8
    deg = deg_ref[0, :N] + deg_ref[1, :N] + 1.0
    dinv = lax.rsqrt(deg)
    dinv_ref[...] = dinv[:, None]
    g_ref[...] = h * dinv[:, None]


_tc_prep = pl.pallas_call(
    _tc_prep_body,
    out_shape=[
        jax.ShapeDtypeStruct((N, D), jnp.float32),
        jax.ShapeDtypeStruct((N, 1), jnp.float32),
    ],
)



def _tc_final_body(s_ref, g_ref, dinv_ref, o_ref):
    ssum = s_ref[0, :N] + s_ref[1, :N]
    o_ref[...] = (ssum + g_ref[...]) * dinv_ref[...]


_tc_final = pl.pallas_call(
    _tc_final_body,
    out_shape=jax.ShapeDtypeStruct((N, D), jnp.float32),
)


def kernel(x, edge_index, W1, b1):
    ei = jnp.asarray(edge_index, jnp.int32)
    e = ei.reshape(2, NW, ROWS_W, EK)
    src_flat = ei[0].reshape(NW, EPT)
    ones = jnp.ones((EK,), jnp.float32)
    zeros2 = jnp.zeros((NPAD, D), jnp.float32)
    degp = _sc_deg(e, ones)
    g, dinv = _tc_prep(x, W1, b1, degp)
    sp = _sc_scatter(g, src_flat, e, zeros2)
    return _tc_final(sp, g, dinv)

# --- scband reference (transcript-rebuilt; emitter-appended) ---
"""Pipeline reference for scband-vgnaeencoder-53996328845894 (READ-ONLY COPY).

The authoritative reference and input builder live on the scoring server;
editing this copy changes nothing except your own understanding.
"""

import jax, jax.numpy as jnp
import numpy as np

N = 10000
E = 320000
D_IN = 128
D_OUT = 128
# hyperpm is a non-tensor dict arg of the original forward; fixed here to the GAE branch
HYPERPM = {"model": "GAE"}


def setup_inputs(seed: int = 0):
    key = jax.random.key(seed)
    k1, k2, k3 = jax.random.split(key, 3)
    x = jax.random.normal(k1, (N, D_IN), dtype=jnp.float32)
    edge_index = jax.random.randint(k2, (2, E), 0, N)
    W1 = jax.random.normal(k3, (D_IN, D_OUT), dtype=jnp.float32) * 0.05
    b1 = jnp.zeros((D_OUT,), dtype=jnp.float32)
    return {"x": x, "edge_index": edge_index, "W1": W1, "b1": b1}


def _appnp_k1_alpha0(h, edge_index):
    # APPNP with K=1, alpha=0 reduces to a single GCN-normalized propagation
    # with self-loops: out = D^{-1/2} (A + I) D^{-1/2} h
    src = edge_index[0]
    dst = edge_index[1]
    loop = jnp.arange(N)
    src = jnp.concatenate([src, loop])
    dst = jnp.concatenate([dst, loop])
    deg = jnp.zeros((N,), dtype=h.dtype).at[dst].add(1.0)
    dinv = jnp.where(deg > 0, 1.0 / jnp.sqrt(deg), 0.0)
    w = dinv[src] * dinv[dst]
    msg = h[src] * w[:, None]
    out = jnp.zeros((N, h.shape[1]), dtype=h.dtype).at[dst].add(msg)
    return out


def reference(x, edge_index, W1, b1):
    # GAE branch: x = linear1(x); x = F.normalize(x, p=2, dim=1) * 1.8; x = propagate(x, edge_index)
    h = x @ W1.T if False else x @ W1 + b1
    nrm = jnp.sqrt(jnp.sum(h * h, axis=1, keepdims=True))
    h = h / jnp.maximum(nrm, 1e-12) * 1.8
    out = _appnp_k1_alpha0(h, edge_index)
    return out


if False:  # reference __main__ guard neutralized (emitter)
    inp = setup_inputs()
    o = reference(**inp)
    print(o.shape)

if __name__ == "__main__":
    import jax
    _d = setup_inputs()
    print(jax.jit(kernel)(*tuple(_d.values())))

</pallas_src>

<mosaic_0001>
#map = affine_map<(d0, d1) -> (0, 0, 0, 0)>
#map1 = affine_map<(d0, d1) -> (0)>
#map2 = affine_map<(d0, d1) -> (0, 0)>
module attributes {stable_mosaic.version = 14 : i64} {
  func.func @_sc_deg(%arg0: i32, %arg1: i32, %arg2: memref<2x32x125x80xi32, #tpu.memory_space<hbm>>, %arg3: memref<80xf32, #tpu.memory_space<hbm>>, %arg4: memref<2x10240xf32, #tpu.memory_space<hbm>>, %arg5: memref<125x80xi32, #tpu.memory_space<vmem>>, %arg6: memref<80xf32, #tpu.memory_space<vmem>>, %arg7: memref<640xf32, #tpu.memory_space<vmem>>, %arg8: memref<10240xf32, #tpu.memory_space<vmem_shared>>, %arg9: memref<!tpu.dma_semaphore, #tpu.memory_space<semaphore_mem>>) attributes {dimension_semantics = [#tpu.dimension_semantics<core_parallel>, #tpu.dimension_semantics<subcore_parallel>], iteration_bounds = array<i64: 2, 16>, scalar_prefetch = 0 : i64, scratch_operands = 5 : i64, tpu.core_type = #tpu.core_type<sc_vector_subcore>, window_params = [{transform_indices = #map}, {transform_indices = #map1}, {transform_indices = #map2}]} {
    %mul3A = arith.constant 16 : i32
    %mul3A_0 = arith.muli %arg0, %mul3A : i32
    %add3A = arith.addi %mul3A_0, %arg1 : i32
    "tpu.region"() ({
      %run_scoped3A_257 = tpu.sem_alloc : memref<!tpu.dma_semaphore, #tpu.memory_space<semaphore_mem>>
      tpu.enqueue_dma source(%arg3 : memref<80xf32, #tpu.memory_space<hbm>>) target(%arg6 : memref<80xf32, #tpu.memory_space<vmem>>) target_semaphore(%run_scoped3A_257 : memref<!tpu.dma_semaphore, #tpu.memory_space<semaphore_mem>>)
      tpu.wait_dma2 semaphore(%run_scoped3A_257 : memref<!tpu.dma_semaphore, #tpu.memory_space<semaphore_mem>>) src(%arg3 : memref<80xf32, #tpu.memory_space<hbm>>) dst(%arg6 : memref<80xf32, #tpu.memory_space<vmem>>)
      tpu.yield
    }) : () -> ()
    %broadcast_in_dim3A = arith.constant 0.000000e+00 : f32
    %broadcast_in_dim3A_1 = vector.broadcast %broadcast_in_dim3A : f32 to vector<16xf32>
    %swap3A = arith.constant 0 : index
    %swap3A_2 = tpu.vector_load %arg7[%swap3A] {strides = array<i32>} : memref<640xf32, #tpu.memory_space<vmem>>, vector<16xf32>,
    %swap3A_3 = vector.shape_cast %swap3A_2 : vector<16xf32> to vector<16xf32>
    %swap3A_4 = vector.shape_cast %broadcast_in_dim3A_1 : vector<16xf32> to vector<16xf32>
    tpu.vector_store %arg7[%swap3A], %swap3A_4 {strides = array<i32>} : memref<640xf32, #tpu.memory_space<vmem>>, vector<16xf32>,
    %broadcast_in_dim3A_5 = arith.constant 0.000000e+00 : f32
    %broadcast_in_dim3A_6 = vector.broadcast %broadcast_in_dim3A_5 : f32 to vector<16xf32>
    %swap3A_7 = arith.constant 16 : index
    %swap3A_8 = tpu.vector_load %arg7[%swap3A_7] {strides = array<i32>} : memref<640xf32, #tpu.memory_space<vmem>>, vector<16xf32>,
    %swap3A_9 = vector.shape_cast %swap3A_8 : vector<16xf32> to vector<16xf32>
    %swap3A_10 = vector.shape_cast %broadcast_in_dim3A_6 : vector<16xf32> to vector<16xf32>
    tpu.vector_store %arg7[%swap3A_7], %swap3A_10 {strides = array<i32>} : memref<640xf32, #tpu.memory_space<vmem>>, vector<16xf32>,
    %broadcast_in_dim3A_11 = arith.constant 0.000000e+00 : f32
    %broadcast_in_dim3A_12 = vector.broadcast %broadcast_in_dim3A_11 : f32 to vector<16xf32>
    %swap3A_13 = arith.constant 32 : index
    %swap3A_14 = tpu.vector_load %arg7[%swap3A_13] {strides = array<i32>} : memref<640xf32, #tpu.memory_space<vmem>>, vector<16xf32>,
    %swap3A_15 = vector.shape_cast %swap3A_14 : vector<16xf32> to vector<16xf32>
    %swap3A_16 = vector.shape_cast %broadcast_in_dim3A_12 : vector<16xf32> to vector<16xf32>
    tpu.vector_store %arg7[%swap3A_13], %swap3A_16 {strides = array<i32>} : memref<640xf32, #tpu.memory_space<vmem>>, vector<16xf32>,
    %broadcast_in_dim3A_17 = arith.constant 0.000000e+00 : f32
    %broadcast_in_dim3A_18 = vector.broadcast %broadcast_in_dim3A_17 : f32 to vector<16xf32>
    %swap3A_19 = arith.constant 48 : index
    %swap3A_20 = tpu.vector_load %arg7[%swap3A_19] {strides = array<i32>} : memref<640xf32, #tpu.memory_space<vmem>>, vector<16xf32>,
    %swap3A_21 = vector.shape_cast %swap3A_20 : vector<16xf32> to vector<16xf32>
    %swap3A_22 = vector.shape_cast %broadcast_in_dim3A_18 : vector<16xf32> to vector<16xf32>
    tpu.vector_store %arg7[%swap3A_19], %swap3A_22 {strides = array<i32>} : memref<640xf32, #tpu.memory_space<vmem>>, vector<16xf32>,
    %broadcast_in_dim3A_23 = arith.constant 0.000000e+00 : f32
    %broadcast_in_dim3A_24 = vector.broadcast %broadcast_in_dim3A_23 : f32 to vector<16xf32>
    %swap3A_25 = arith.constant 64 : index
    %swap3A_26 = tpu.vector_load %arg7[%swap3A_25] {strides = array<i32>} : memref<640xf32, #tpu.memory_space<vmem>>, vector<16xf32>,
    %swap3A_27 = vector.shape_cast %swap3A_26 : vector<16xf32> to vector<16xf32>
    %swap3A_28 = vector.shape_cast %broadcast_in_dim3A_24 : vector<16xf32> to vector<16xf32>
    tpu.vector_store %arg7[%swap3A_25], %swap3A_28 {strides = array<i32>} : memref<640xf32, #tpu.memory_space<vmem>>, vector<16xf32>,
    %broadcast_in_dim3A_29 = arith.constant 0.000000e+00 : f32
    %broadcast_in_dim3A_30 = vector.broadcast %broadcast_in_dim3A_29 : f32 to vector<16xf32>
    %swap3A_31 = arith.constant 80 : index
    %swap3A_32 = tpu.vector_load %arg7[%swap3A_31] {strides = array<i32>} : memref<640xf32, #tpu.memory_space<vmem>>, vector<16xf32>,
    %swap3A_33 = vector.shape_cast %swap3A_32 : vector<16xf32> to vector<16xf32>
    %swap3A_34 = vector.shape_cast %broadcast_in_dim3A_30 : vector<16xf32> to vector<16xf32>
    tpu.vector_store %arg7[%swap3A_31], %swap3A_34 {strides = array<i32>} : memref<640xf32, #tpu.memory_space<vmem>>, vector<16xf32>,
    %broadcast_in_dim3A_35 = arith.constant 0.000000e+00 : f32
    %broadcast_in_dim3A_36 = vector.broadcast %broadcast_in_dim3A_35 : f32 to vector<16xf32>
    %swap3A_37 = arith.constant 96 : index
    %swap3A_38 = tpu.vector_load %arg7[%swap3A_37] {strides = array<i32>} : memref<640xf32, #tpu.memory_space<vmem>>, vector<16xf32>,
    %swap3A_39 = vector.shape_cast %swap3A_38 : vector<16xf32> to vector<16xf32>
    %swap3A_40 = vector.shape_cast %broadcast_in_dim3A_36 : vector<16xf32> to vector<16xf32>
    tpu.vector_store %arg7[%swap3A_37], %swap3A_40 {strides = array<i32>} : memref<640xf32, #tpu.memory_space<vmem>>, vector<16xf32>,
    %broadcast_in_dim3A_41 = arith.constant 0.000000e+00 : f32
    %broadcast_in_dim3A_42 = vector.broadcast %broadcast_in_dim3A_41 : f32 to vector<16xf32>
    %swap3A_43 = arith.constant 112 : index
    %swap3A_44 = tpu.vector_load %arg7[%swap3A_43] {strides = array<i32>} : memref<640xf32, #tpu.memory_space<vmem>>, vector<16xf32>,
    %swap3A_45 = vector.shape_cast %swap3A_44 : vector<16xf32> to vector<16xf32>
    %swap3A_46 = vector.shape_cast %broadcast_in_dim3A_42 : vector<16xf32> to vector<16xf32>
    tpu.vector_store %arg7[%swap3A_43], %swap3A_46 {strides = array<i32>} : memref<640xf32, #tpu.memory_space<vmem>>, vector<16xf32>,
    %broadcast_in_dim3A_47 = arith.constant 0.000000e+00 : f32
    %broadcast_in_dim3A_48 = vector.broadcast %broadcast_in_dim3A_47 : f32 to vector<16xf32>
    %swap3A_49 = arith.constant 128 : index
    %swap3A_50 = tpu.vector_load %arg7[%swap3A_49] {strides = array<i32>} : memref<640xf32, #tpu.memory_space<vmem>>, vector<16xf32>,
    %swap3A_51 = vector.shape_cast %swap3A_50 : vector<16xf32> to vector<16xf32>
    %swap3A_52 = vector.shape_cast %broadcast_in_dim3A_48 : vector<16xf32> to vector<16xf32>
    tpu.vector_store %arg7[%swap3A_49], %swap3A_52 {strides = array<i32>} : memref<640xf32, #tpu.memory_space<vmem>>, vector<16xf32>,
    %broadcast_in_dim3A_53 = arith.constant 0.000000e+00 : f32
    %broadcast_in_dim3A_54 = vector.broadcast %broadcast_in_dim3A_53 : f32 to vector<16xf32>
    %swap3A_55 = arith.constant 144 : index
    %swap3A_56 = tpu.vector_load %arg7[%swap3A_55] {strides = array<i32>} : memref<640xf32, #tpu.memory_space<vmem>>, vector<16xf32>,
    %swap3A_57 = vector.shape_cast %swap3A_56 : vector<16xf32> to vector<16xf32>
    %swap3A_58 = vector.shape_cast %broadcast_in_dim3A_54 : vector<16xf32> to vector<16xf32>
    tpu.vector_store %arg7[%swap3A_55], %swap3A_58 {strides = array<i32>} : memref<640xf32, #tpu.memory_space<vmem>>, vector<16xf32>,
    %broadcast_in_dim3A_59 = arith.constant 0.000000e+00 : f32
    %broadcast_in_dim3A_60 = vector.broadcast %broadcast_in_dim3A_59 : f32 to vector<16xf32>
    %swap3A_61 = arith.constant 160 : index
    %swap3A_62 = tpu.vector_load %arg7[%swap3A_61] {strides = array<i32>} : memref<640xf32, #tpu.memory_space<vmem>>, vector<16xf32>,
    %swap3A_63 = vector.shape_cast %swap3A_62 : vector<16xf32> to vector<16xf32>
    %swap3A_64 = vector.shape_cast %broadcast_in_dim3A_60 : vector<16xf32> to vector<16xf32>
    tpu.vector_store %arg7[%swap3A_61], %swap3A_64 {strides = array<i32>} : memref<640xf32, #tpu.memory_space<vmem>>, vector<16xf32>,
    %broadcast_in_dim3A_65 = arith.constant 0.000000e+00 : f32
    %broadcast_in_dim3A_66 = vector.broadcast %broadcast_in_dim3A_65 : f32 to vector<16xf32>
    %swap3A_67 = arith.constant 176 : index
    %swap3A_68 = tpu.vector_load %arg7[%swap3A_67] {strides = array<i32>} : memref<640xf32, #tpu.memory_space<vmem>>, vector<16xf32>,
    %swap3A_69 = vector.shape_cast %swap3A_68 : vector<16xf32> to vector<16xf32>
    %swap3A_70 = vector.shape_cast %broadcast_in_dim3A_66 : vector<16xf32> to vector<16xf32>
    tpu.vector_store %arg7[%swap3A_67], %swap3A_70 {strides = array<i32>} : memref<640xf32, #tpu.memory_space<vmem>>, vector<16xf32>,
    %broadcast_in_dim3A_71 = arith.constant 0.000000e+00 : f32
    %broadcast_in_dim3A_72 = vector.broadcast %broadcast_in_dim3A_71 : f32 to vector<16xf32>
    %swap3A_73 = arith.constant 192 : index
    %swap3A_74 = tpu.vector_load %arg7[%swap3A_73] {strides = array<i32>} : memref<640xf32, #tpu.memory_space<vmem>>, vector<16xf32>,
    %swap3A_75 = vector.shape_cast %swap3A_74 : vector<16xf32> to vector<16xf32>
    %swap3A_76 = vector.shape_cast %broadcast_in_dim3A_72 : vector<16xf32> to vector<16xf32>
    tpu.vector_store %arg7[%swap3A_73], %swap3A_76 {strides = array<i32>} : memref<640xf32, #tpu.memory_space<vmem>>, vector<16xf32>,
    %broadcast_in_dim3A_77 = arith.constant 0.000000e+00 : f32
    %broadcast_in_dim3A_78 = vector.broadcast %broadcast_in_dim3A_77 : f32 to vector<16xf32>
    %swap3A_79 = arith.constant 208 : index
    %swap3A_80 = tpu.vector_load %arg7[%swap3A_79] {strides = array<i32>} : memref<640xf32, #tpu.memory_space<vmem>>, vector<16xf32>,
    %swap3A_81 = vector.shape_cast %swap3A_80 : vector<16xf32> to vector<16xf32>
    %swap3A_82 = vector.shape_cast %broadcast_in_dim3A_78 : vector<16xf32> to vector<16xf32>
    tpu.vector_store %arg7[%swap3A_79], %swap3A_82 {strides = array<i32>} : memref<640xf32, #tpu.memory_space<vmem>>, vector<16xf32>,
    %broadcast_in_dim3A_83 = arith.constant 0.000000e+00 : f32
    %broadcast_in_dim3A_84 = vector.broadcast %broadcast_in_dim3A_83 : f32 to vector<16xf32>
    %swap3A_85 = arith.constant 224 : index
    %swap3A_86 = tpu.vector_load %arg7[%swap3A_85] {strides = array<i32>} : memref<640xf32, #tpu.memory_space<vmem>>, vector<16xf32>,
    %swap3A_87 = vector.shape_cast %swap3A_86 : vector<16xf32> to vector<16xf32>
    %swap3A_88 = vector.shape_cast %broadcast_in_dim3A_84 : vector<16xf32> to vector<16xf32>
    tpu.vector_store %arg7[%swap3A_85], %swap3A_88 {strides = array<i32>} : memref<640xf32, #tpu.memory_space<vmem>>, vector<16xf32>,
    %broadcast_in_dim3A_89 = arith.constant 0.000000e+00 : f32
    %broadcast_in_dim3A_90 = vector.broadcast %broadcast_in_dim3A_89 : f32 to vector<16xf32>
    %swap3A_91 = arith.constant 240 : index
    %swap3A_92 = tpu.vector_load %arg7[%swap3A_91] {strides = array<i32>} : memref<640xf32, #tpu.memory_space<vmem>>, vector<16xf32>,
    %swap3A_93 = vector.shape_cast %swap3A_92 : vector<16xf32> to vector<16xf32>
    %swap3A_94 = vector.shape_cast %broadcast_in_dim3A_90 : vector<16xf32> to vector<16xf32>
    tpu.vector_store %arg7[%swap3A_91], %swap3A_94 {strides = array<i32>} : memref<640xf32, #tpu.memory_space<vmem>>, vector<16xf32>,
    %broadcast_in_dim3A_95 = arith.constant 0.000000e+00 : f32
    %broadcast_in_dim3A_96 = vector.broadcast %broadcast_in_dim3A_95 : f32 to vector<16xf32>
    %swap3A_97 = arith.constant 256 : index
    %swap3A_98 = tpu.vector_load %arg7[%swap3A_97] {strides = array<i32>} : memref<640xf32, #tpu.memory_space<vmem>>, vector<16xf32>,
    %swap3A_99 = vector.shape_cast %swap3A_98 : vector<16xf32> to vector<16xf32>
    %swap3A_100 = vector.shape_cast %broadcast_in_dim3A_96 : vector<16xf32> to vector<16xf32>
    tpu.vector_store %arg7[%swap3A_97], %swap3A_100 {strides = array<i32>} : memref<640xf32, #tpu.memory_space<vmem>>, vector<16xf32>,
    %broadcast_in_dim3A_101 = arith.constant 0.000000e+00 : f32
    %broadcast_in_dim3A_102 = vector.broadcast %broadcast_in_dim3A_101 : f32 to vector<16xf32>
    %swap3A_103 = arith.constant 272 : index
    %swap3A_104 = tpu.vector_load %arg7[%swap3A_103] {strides = array<i32>} : memref<640xf32, #tpu.memory_space<vmem>>, vector<16xf32>,
    %swap3A_105 = vector.shape_cast %swap3A_104 : vector<16xf32> to vector<16xf32>
    %swap3A_106 = vector.shape_cast %broadcast_in_dim3A_102 : vector<16xf32> to vector<16xf32>
    tpu.vector_store %arg7[%swap3A_103], %swap3A_106 {strides = array<i32>} : memref<640xf32, #tpu.memory_space<vmem>>, vector<16xf32>,
    %broadcast_in_dim3A_107 = arith.constant 0.000000e+00 : f32
    %broadcast_in_dim3A_108 = vector.broadcast %broadcast_in_dim3A_107 : f32 to vector<16xf32>
    %swap3A_109 = arith.constant 288 : index
    %swap3A_110 = tpu.vector_load %arg7[%swap3A_109] {strides = array<i32>} : memref<640xf32, #tpu.memory_space<vmem>>, vector<16xf32>,
    %swap3A_111 = vector.shape_cast %swap3A_110 : vector<16xf32> to vector<16xf32>
    %swap3A_112 = vector.shape_cast %broadcast_in_dim3A_108 : vector<16xf32> to vector<16xf32>
    tpu.vector_store %arg7[%swap3A_109], %swap3A_112 {strides = array<i32>} : memref<640xf32, #tpu.memory_space<vmem>>, vector<16xf32>,
    %broadcast_in_dim3A_113 = arith.constant 0.000000e+00 : f32
    %broadcast_in_dim3A_114 = vector.broadcast %broadcast_in_dim3A_113 : f32 to vector<16xf32>
    %swap3A_115 = arith.constant 304 : index
    %swap3A_116 = tpu.vector_load %arg7[%swap3A_115] {strides = array<i32>} : memref<640xf32, #tpu.memory_space<vmem>>, vector<16xf32>,
    %swap3A_117 = vector.shape_cast %swap3A_116 : vector<16xf32> to vector<16xf32>
    %swap3A_118 = vector.shape_cast %broadcast_in_dim3A_114 : vector<16xf32> to vector<16xf32>
    tpu.vector_store %arg7[%swap3A_115], %swap3A_118 {strides = array<i32>} : memref<640xf32, #tpu.memory_space<vmem>>, vector<16xf32>,
    %broadcast_in_dim3A_119 = arith.constant 0.000000e+00 : f32
    %broadcast_in_dim3A_120 = vector.broadcast %broadcast_in_dim3A_119 : f32 to vector<16xf32>
    %swap3A_121 = arith.constant 320 : index
    %swap3A_122 = tpu.vector_load %arg7[%swap3A_121] {strides = array<i32>} : memref<640xf32, #tpu.memory_space<vmem>>, vector<16xf32>,
    %swap3A_123 = vector.shape_cast %swap3A_122 : vector<16xf32> to vector<16xf32>
    %swap3A_124 = vector.shape_cast %broadcast_in_dim3A_120 : vector<16xf32> to vector<16xf32>
    tpu.vector_store %arg7[%swap3A_121], %swap3A_124 {strides = array<i32>} : memref<640xf32, #tpu.memory_space<vmem>>, vector<16xf32>,
    %broadcast_in_dim3A_125 = arith.constant 0.000000e+00 : f32
    %broadcast_in_dim3A_126 = vector.broadcast %broadcast_in_dim3A_125 : f32 to vector<16xf32>
    %swap3A_127 = arith.constant 336 : index
    %swap3A_128 = tpu.vector_load %arg7[%swap3A_127] {strides = array<i32>} : memref<640xf32, #tpu.memory_space<vmem>>, vector<16xf32>,
    %swap3A_129 = vector.shape_cast %swap3A_128 : vector<16xf32> to vector<16xf32>
    %swap3A_130 = vector.shape_cast %broadcast_in_dim3A_126 : vector<16xf32> to vector<16xf32>
    tpu.vector_store %arg7[%swap3A_127], %swap3A_130 {strides = array<i32>} : memref<640xf32, #tpu.memory_space<vmem>>, vector<16xf32>,
    %broadcast_in_dim3A_131 = arith.constant 0.000000e+00 : f32
    %broadcast_in_dim3A_132 = vector.broadcast %broadcast_in_dim3A_131 : f32 to vector<16xf32>
    %swap3A_133 = arith.constant 352 : index
    %swap3A_134 = tpu.vector_load %arg7[%swap3A_133] {strides = array<i32>} : memref<640xf32, #tpu.memory_space<vmem>>, vector<16xf32>,
    %swap3A_135 = vector.shape_cast %swap3A_134 : vector<16xf32> to vector<16xf32>
    %swap3A_136 = vector.shape_cast %broadcast_in_dim3A_132 : vector<16xf32> to vector<16xf32>
    tpu.vector_store %arg7[%swap3A_133], %swap3A_136 {strides = array<i32>} : memref<640xf32, #tpu.memory_space<vmem>>, vector<16xf32>,
    %broadcast_in_dim3A_137 = arith.constant 0.000000e+00 : f32
    %broadcast_in_dim3A_138 = vector.broadcast %broadcast_in_dim3A_137 : f32 to vector<16xf32>
    %swap3A_139 = arith.constant 368 : index
    %swap3A_140 = tpu.vector_load %arg7[%swap3A_139] {strides = array<i32>} : memref<640xf32, #tpu.memory_space<vmem>>, vector<16xf32>,
    %swap3A_141 = vector.shape_cast %swap3A_140 : vector<16xf32> to vector<16xf32>
    %swap3A_142 = vector.shape_cast %broadcast_in_dim3A_138 : vector<16xf32> to vector<16xf32>
    tpu.vector_store %arg7[%swap3A_139], %swap3A_142 {strides = array<i32>} : memref<640xf32, #tpu.memory_space<vmem>>, vector<16xf32>,
    %broadcast_in_dim3A_143 = arith.constant 0.000000e+00 : f32
    %broadcast_in_dim3A_144 = vector.broadcast %broadcast_in_dim3A_143 : f32 to vector<16xf32>
    %swap3A_145 = arith.constant 384 : index
    %swap3A_146 = tpu.vector_load %arg7[%swap3A_145] {strides = array<i32>} : memref<640xf32, #tpu.memory_space<vmem>>, vector<16xf32>,
    %swap3A_147 = vector.shape_cast %swap3A_146 : vector<16xf32> to vector<16xf32>
    %swap3A_148 = vector.shape_cast %broadcast_in_dim3A_144 : vector<16xf32> to vector<16xf32>
    tpu.vector_store %arg7[%swap3A_145], %swap3A_148 {strides = array<i32>} : memref<640xf32, #tpu.memory_space<vmem>>, vector<16xf32>,
    %broadcast_in_dim3A_149 = arith.constant 0.000000e+00 : f32
    %broadcast_in_dim3A_150 = vector.broadcast %broadcast_in_dim3A_149 : f32 to vector<16xf32>
    %swap3A_151 = arith.constant 400 : index
    %swap3A_152 = tpu.vector_load %arg7[%swap3A_151] {strides = array<i32>} : memref<640xf32, #tpu.memory_space<vmem>>, vector<16xf32>,
    %swap3A_153 = vector.shape_cast %swap3A_152 : vector<16xf32> to vector<16xf32>
    %swap3A_154 = vector.shape_cast %broadcast_in_dim3A_150 : vector<16xf32> to vector<16xf32>
    tpu.vector_store %arg7[%swap3A_151], %swap3A_154 {strides = array<i32>} : memref<640xf32, #tpu.memory_space<vmem>>, vector<16xf32>,
    %broadcast_in_dim3A_155 = arith.constant 0.000000e+00 : f32
    %broadcast_in_dim3A_156 = vector.broadcast %broadcast_in_dim3A_155 : f32 to vector<16xf32>
    %swap3A_157 = arith.constant 416 : index
    %swap3A_158 = tpu.vector_load %arg7[%swap3A_157] {strides = array<i32>} : memref<640xf32, #tpu.memory_space<vmem>>, vector<16xf32>,
    %swap3A_159 = vector.shape_cast %swap3A_158 : vector<16xf32> to vector<16xf32>
    %swap3A_160 = vector.shape_cast %broadcast_in_dim3A_156 : vector<16xf32> to vector<16xf32>
    tpu.vector_store %arg7[%swap3A_157], %swap3A_160 {strides = array<i32>} : memref<640xf32, #tpu.memory_space<vmem>>, vector<16xf32>,
    %broadcast_in_dim3A_161 = arith.constant 0.000000e+00 : f32
    %broadcast_in_dim3A_162 = vector.broadcast %broadcast_in_dim3A_161 : f32 to vector<16xf32>
    %swap3A_163 = arith.constant 432 : index
    %swap3A_164 = tpu.vector_load %arg7[%swap3A_163] {strides = array<i32>} : memref<640xf32, #tpu.memory_space<vmem>>, vector<16xf32>,
    %swap3A_165 = vector.shape_cast %swap3A_164 : vector<16xf32> to vector<16xf32>
    %swap3A_166 = vector.shape_cast %broadcast_in_dim3A_162 : vector<16xf32> to vector<16xf32>
    tpu.vector_store %arg7[%swap3A_163], %swap3A_166 {strides = array<i32>} : memref<640xf32, #tpu.memory_space<vmem>>, vector<16xf32>,
    %broadcast_in_dim3A_167 = arith.constant 0.000000e+00 : f32
    %broadcast_in_dim3A_168 = vector.broadcast %broadcast_in_dim3A_167 : f32 to vector<16xf32>
    %swap3A_169 = arith.constant 448 : index
    %swap3A_170 = tpu.vector_load %arg7[%swap3A_169] {strides = array<i32>} : memref<640xf32, #tpu.memory_space<vmem>>, vector<16xf32>,
    %swap3A_171 = vector.shape_cast %swap3A_170 : vector<16xf32> to vector<16xf32>
    %swap3A_172 = vector.shape_cast %broadcast_in_dim3A_168 : vector<16xf32> to vector<16xf32>
    tpu.vector_store %arg7[%swap3A_169], %swap3A_172 {strides = array<i32>} : memref<640xf32, #tpu.memory_space<vmem>>, vector<16xf32>,
    %broadcast_in_dim3A_173 = arith.constant 0.000000e+00 : f32
    %broadcast_in_dim3A_174 = vector.broadcast %broadcast_in_dim3A_173 : f32 to vector<16xf32>
    %swap3A_175 = arith.constant 464 : index
    %swap3A_176 = tpu.vector_load %arg7[%swap3A_175] {strides = array<i32>} : memref<640xf32, #tpu.memory_space<vmem>>, vector<16xf32>,
    %swap3A_177 = vector.shape_cast %swap3A_176 : vector<16xf32> to vector<16xf32>
    %swap3A_178 = vector.shape_cast %broadcast_in_dim3A_174 : vector<16xf32> to vector<16xf32>
    tpu.vector_store %arg7[%swap3A_175], %swap3A_178 {strides = array<i32>} : memref<640xf32, #tpu.memory_space<vmem>>, vector<16xf32>,
    %broadcast_in_dim3A_179 = arith.constant 0.000000e+00 : f32
    %broadcast_in_dim3A_180 = vector.broadcast %broadcast_in_dim3A_179 : f32 to vector<16xf32>
    %swap3A_181 = arith.constant 480 : index
    %swap3A_182 = tpu.vector_load %arg7[%swap3A_181] {strides = array<i32>} : memref<640xf32, #tpu.memory_space<vmem>>, vector<16xf32>,
    %swap3A_183 = vector.shape_cast %swap3A_182 : vector<16xf32> to vector<16xf32>
    %swap3A_184 = vector.shape_cast %broadcast_in_dim3A_180 : vector<16xf32> to vector<16xf32>
    tpu.vector_store %arg7[%swap3A_181], %swap3A_184 {strides = array<i32>} : memref<640xf32, #tpu.memory_space<vmem>>, vector<16xf32>,
    %broadcast_in_dim3A_185 = arith.constant 0.000000e+00 : f32
    %broadcast_in_dim3A_186 = vector.broadcast %broadcast_in_dim3A_185 : f32 to vector<16xf32>
    %swap3A_187 = arith.constant 496 : index
    %swap3A_188 = tpu.vector_load %arg7[%swap3A_187] {strides = array<i32>} : memref<640xf32, #tpu.memory_space<vmem>>, vector<16xf32>,
    %swap3A_189 = vector.shape_cast %swap3A_188 : vector<16xf32> to vector<16xf32>
    %swap3A_190 = vector.shape_cast %broadcast_in_dim3A_186 : vector<16xf32> to vector<16xf32>
    tpu.vector_store %arg7[%swap3A_187], %swap3A_190 {strides = array<i32>} : memref<640xf32, #tpu.memory_space<vmem>>, vector<16xf32>,
    %broadcast_in_dim3A_191 = arith.constant 0.000000e+00 : f32
    %broadcast_in_dim3A_192 = vector.broadcast %broadcast_in_dim3A_191 : f32 to vector<16xf32>
    %swap3A_193 = arith.constant 512 : index
    %swap3A_194 = tpu.vector_load %arg7[%swap3A_193] {strides = array<i32>} : memref<640xf32, #tpu.memory_space<vmem>>, vector<16xf32>,
    %swap3A_195 = vector.shape_cast %swap3A_194 : vector<16xf32> to vector<16xf32>
    %swap3A_196 = vector.shape_cast %broadcast_in_dim3A_192 : vector<16xf32> to vector<16xf32>
    tpu.vector_store %arg7[%swap3A_193], %swap3A_196 {strides = array<i32>} : memref<640xf32, #tpu.memory_space<vmem>>, vector<16xf32>,
    %broadcast_in_dim3A_197 = arith.constant 0.000000e+00 : f32
    %broadcast_in_dim3A_198 = vector.broadcast %broadcast_in_dim3A_197 : f32 to vector<16xf32>
    %swap3A_199 = arith.constant 528 : index
    %swap3A_200 = tpu.vector_load %arg7[%swap3A_199] {strides = array<i32>} : memref<640xf32, #tpu.memory_space<vmem>>, vector<16xf32>,
    %swap3A_201 = vector.shape_cast %swap3A_200 : vector<16xf32> to vector<16xf32>
    %swap3A_202 = vector.shape_cast %broadcast_in_dim3A_198 : vector<16xf32> to vector<16xf32>
    tpu.vector_store %arg7[%swap3A_199], %swap3A_202 {strides = array<i32>} : memref<640xf32, #tpu.memory_space<vmem>>, vector<16xf32>,
    %broadcast_in_dim3A_203 = arith.constant 0.000000e+00 : f32
    %broadcast_in_dim3A_204 = vector.broadcast %broadcast_in_dim3A_203 : f32 to vector<16xf32>
    %swap3A_205 = arith.constant 544 : index
    %swap3A_206 = tpu.vector_load %arg7[%swap3A_205] {strides = array<i32>} : memref<640xf32, #tpu.memory_space<vmem>>, vector<16xf32>,
    %swap3A_207 = vector.shape_cast %swap3A_206 : vector<16xf32> to vector<16xf32>
    %swap3A_208 = vector.shape_cast %broadcast_in_dim3A_204 : vector<16xf32> to vector<16xf32>
    tpu.vector_store %arg7[%swap3A_205], %swap3A_208 {strides = array<i32>} : memref<640xf32, #tpu.memory_space<vmem>>, vector<16xf32>,
    %broadcast_in_dim3A_209 = arith.constant 0.000000e+00 : f32
    %broadcast_in_dim3A_210 = vector.broadcast %broadcast_in_dim3A_209 : f32 to vector<16xf32>
    %swap3A_211 = arith.constant 560 : index
    %swap3A_212 = tpu.vector_load %arg7[%swap3A_211] {strides = array<i32>} : memref<640xf32, #tpu.memory_space<vmem>>, vector<16xf32>,
    %swap3A_213 = vector.shape_cast %swap3A_212 : vector<16xf32> to vector<16xf32>
    %swap3A_214 = vector.shape_cast %broadcast_in_dim3A_210 : vector<16xf32> to vector<16xf32>
    tpu.vector_store %arg7[%swap3A_211], %swap3A_214 {strides = array<i32>} : memref<640xf32, #tpu.memory_space<vmem>>, vector<16xf32>,
    %broadcast_in_dim3A_215 = arith.constant 0.000000e+00 : f32
    %broadcast_in_dim3A_216 = vector.broadcast %broadcast_in_dim3A_215 : f32 to vector<16xf32>
    %swap3A_217 = arith.constant 576 : index
    %swap3A_218 = tpu.vector_load %arg7[%swap3A_217] {strides = array<i32>} : memref<640xf32, #tpu.memory_space<vmem>>, vector<16xf32>,
    %swap3A_219 = vector.shape_cast %swap3A_218 : vector<16xf32> to vector<16xf32>
    %swap3A_220 = vector.shape_cast %broadcast_in_dim3A_216 : vector<16xf32> to vector<16xf32>
    tpu.vector_store %arg7[%swap3A_217], %swap3A_220 {strides = array<i32>} : memref<640xf32, #tpu.memory_space<vmem>>, vector<16xf32>,
    %broadcast_in_dim3A_221 = arith.constant 0.000000e+00 : f32
    %broadcast_in_dim3A_222 = vector.broadcast %broadcast_in_dim3A_221 : f32 to vector<16xf32>
    %swap3A_223 = arith.constant 592 : index
    %swap3A_224 = tpu.vector_load %arg7[%swap3A_223] {strides = array<i32>} : memref<640xf32, #tpu.memory_space<vmem>>, vector<16xf32>,
    %swap3A_225 = vector.shape_cast %swap3A_224 : vector<16xf32> to vector<16xf32>
    %swap3A_226 = vector.shape_cast %broadcast_in_dim3A_222 : vector<16xf32> to vector<16xf32>
    tpu.vector_store %arg7[%swap3A_223], %swap3A_226 {strides = array<i32>} : memref<640xf32, #tpu.memory_space<vmem>>, vector<16xf32>,
    %broadcast_in_dim3A_227 = arith.constant 0.000000e+00 : f32
    %broadcast_in_dim3A_228 = vector.broadcast %broadcast_in_dim3A_227 : f32 to vector<16xf32>
    %swap3A_229 = arith.constant 608 : index
    %swap3A_230 = tpu.vector_load %arg7[%swap3A_229] {strides = array<i32>} : memref<640xf32, #tpu.memory_space<vmem>>, vector<16xf32>,
    %swap3A_231 = vector.shape_cast %swap3A_230 : vector<16xf32> to vector<16xf32>
    %swap3A_232 = vector.shape_cast %broadcast_in_dim3A_228 : vector<16xf32> to vector<16xf32>
    tpu.vector_store %arg7[%swap3A_229], %swap3A_232 {strides = array<i32>} : memref<640xf32, #tpu.memory_space<vmem>>, vector<16xf32>,
    %broadcast_in_dim3A_233 = arith.constant 0.000000e+00 : f32
    %broadcast_in_dim3A_234 = vector.broadcast %broadcast_in_dim3A_233 : f32 to vector<16xf32>
    %swap3A_235 = arith.constant 624 : index
    %swap3A_236 = tpu.vector_load %arg7[%swap3A_235] {strides = array<i32>} : memref<640xf32, #tpu.memory_space<vmem>>, vector<16xf32>,
    %swap3A_237 = vector.shape_cast %swap3A_236 : vector<16xf32> to vector<16xf32>
    %swap3A_238 = vector.shape_cast %broadcast_in_dim3A_234 : vector<16xf32> to vector<16xf32>
    tpu.vector_store %arg7[%swap3A_235], %swap3A_238 {strides = array<i32>} : memref<640xf32, #tpu.memory_space<vmem>>, vector<16xf32>,
    %mul3A_239 = arith.constant 640 : i32
    %mul3A_240 = arith.muli %arg1, %mul3A_239 : i32
    "tpu.region"() ({
      %run_scoped3A_257 = tpu.sem_alloc : memref<!tpu.dma_semaphore, #tpu.memory_space<semaphore_mem>>
      %dma_start3A = tpu.memref_slice %arg8[%mul3A_240] : memref<10240xf32, #tpu.memory_space<vmem_shared>> -> memref<640xf32, #tpu.memory_space<vmem_shared>>
      %dma_start3A_258 = tpu.memref_slice %arg8[%mul3A_240] : memref<10240xf32, #tpu.memory_space<vmem_shared>> -> memref<640xf32, #tpu.memory_space<vmem_shared>>
      tpu.enqueue_dma source(%arg7 : memref<640xf32, #tpu.memory_space<vmem>>) target(%dma_start3A_258 : memref<640xf32, #tpu.memory_space<vmem_shared>>) target_semaphore(%run_scoped3A_257 : memref<!tpu.dma_semaphore, #tpu.memory_space<semaphore_mem>>)
      %dma_wait3A = tpu.memref_slice %arg8[%mul3A_240] : memref<10240xf32, #tpu.memory_space<vmem_shared>> -> memref<640xf32, #tpu.memory_space<vmem_shared>>
      %dma_wait3A_259 = tpu.memref_slice %arg8[%mul3A_240] : memref<10240xf32, #tpu.memory_space<vmem_shared>> -> memref<640xf32, #tpu.memory_space<vmem_shared>>
      tpu.wait_dma2 semaphore(%run_scoped3A_257 : memref<!tpu.dma_semaphore, #tpu.memory_space<semaphore_mem>>) src(%arg7 : memref<640xf32, #tpu.memory_space<vmem>>) dst(%dma_wait3A_259 : memref<640xf32, #tpu.memory_space<vmem_shared>>)
      tpu.yield
    }) : () -> ()
    %run_scoped3A = arith.constant 1 : i32
    "tpu.region"() ({
      %run_scoped3A_257 = tpu.sem_alloc : memref<!tpu.dma_semaphore, #tpu.memory_space<semaphore_mem>>
      %dma_start3A = arith.constant 0 : i32
      %dma_start3A_258 = arith.constant 0 : i32
      %dma_start3A_259 = tpu.memref_slice %arg2[%run_scoped3A, %add3A, %dma_start3A, %dma_start3A_258] : memref<2x32x125x80xi32, #tpu.memory_space<hbm>> -> memref<1x1x125x80xi32, #tpu.memory_space<hbm>>
      %dma_start3A_260 = tpu.memref_squeeze %dma_start3A_259 : memref<1x1x125x80xi32, #tpu.memory_space<hbm>> -> memref<125x80xi32, #tpu.memory_space<hbm>>
      %dma_start3A_261 = arith.constant 0 : i32
      %dma_start3A_262 = arith.constant 0 : i32
      %dma_start3A_263 = tpu.memref_slice %arg2[%run_scoped3A, %add3A, %dma_start3A_261, %dma_start3A_262] : memref<2x32x125x80xi32, #tpu.memory_space<hbm>> -> memref<1x1x125x80xi32, #tpu.memory_space<hbm>>
      %dma_start3A_264 = tpu.memref_squeeze %dma_start3A_263 : memref<1x1x125x80xi32, #tpu.memory_space<hbm>> -> memref<125x80xi32, #tpu.memory_space<hbm>>
      tpu.enqueue_dma source(%dma_start3A_264 : memref<125x80xi32, #tpu.memory_space<hbm>>) target(%arg5 : memref<125x80xi32, #tpu.memory_space<vmem>>) target_semaphore(%run_scoped3A_257 : memref<!tpu.dma_semaphore, #tpu.memory_space<semaphore_mem>>)
      %dma_wait3A = arith.constant 0 : i32
      %dma_wait3A_265 = arith.constant 0 : i32
      %dma_wait3A_266 = tpu.memref_slice %arg2[%run_scoped3A, %add3A, %dma_wait3A, %dma_wait3A_265] : memref<2x32x125x80xi32, #tpu.memory_space<hbm>> -> memref<1x1x125x80xi32, #tpu.memory_space<hbm>>
      %dma_wait3A_267 = tpu.memref_squeeze %dma_wait3A_266 : memref<1x1x125x80xi32, #tpu.memory_space<hbm>> -> memref<125x80xi32, #tpu.memory_space<hbm>>
      %dma_wait3A_268 = arith.constant 0 : i32
      %dma_wait3A_269 = arith.constant 0 : i32
      %dma_wait3A_270 = tpu.memref_slice %arg2[%run_scoped3A, %add3A, %dma_wait3A_268, %dma_wait3A_269] : memref<2x32x125x80xi32, #tpu.memory_space<hbm>> -> memref<1x1x125x80xi32, #tpu.memory_space<hbm>>
      %dma_wait3A_271 = tpu.memref_squeeze %dma_wait3A_270 : memref<1x1x125x80xi32, #tpu.memory_space<hbm>> -> memref<125x80xi32, #tpu.memory_space<hbm>>
      tpu.wait_dma2 semaphore(%run_scoped3A_257 : memref<!tpu.dma_semaphore, #tpu.memory_space<semaphore_mem>>) src(%dma_wait3A_271 : memref<125x80xi32, #tpu.memory_space<hbm>>) dst(%arg5 : memref<125x80xi32, #tpu.memory_space<vmem>>)
      tpu.yield
    }) : () -> ()
    %barrier3A = arith.constant 0 : index
    tpu.barrier barrier_id(%barrier3A)
    %scan3A = arith.constant 0 : i32
    %scan3A_241 = arith.constant 0 : i32
    %scan3A_242 = arith.constant 125 : i32
    %scan3A_243 = arith.addi %scan3A_241, %scan3A_242 : i32
    %scan3A_244 = arith.constant 1 : i32
    scf.for %scan3A_257 = %scan3A_241 to %scan3A_243 step %scan3A_244  : i32 {
      %dma_start3A = arith.constant 0 : i32
      %dma_start3A_258 = tpu.memref_slice %arg5[%scan3A_257, %dma_start3A] : memref<125x80xi32, #tpu.memory_space<vmem>> -> memref<1x80xi32, #tpu.memory_space<vmem>>
      %dma_start3A_259 = tpu.memref_squeeze %dma_start3A_258 : memref<1x80xi32, #tpu.memory_space<vmem>> -> memref<80xi32, #tpu.memory_space<vmem>>
      %dma_start3A_260 = arith.constant 0 : i32
      %dma_start3A_261 = tpu.memref_slice %arg8[%dma_start3A_260] : memref<10240xf32, #tpu.memory_space<vmem_shared>> -> memref<10240xf32, #tpu.memory_space<vmem_shared>>
      tpu.enqueue_indirect_dma source(%arg6 : memref<80xf32, #tpu.memory_space<vmem>>) target(%dma_start3A_261 : memref<10240xf32, #tpu.memory_space<vmem_shared>>) offsets(%dma_start3A_259 : memref<80xi32, #tpu.memory_space<vmem>>) semaphore(%arg9 : memref<!tpu.dma_semaphore, #tpu.memory_space<semaphore_mem>>) {add = true}
      %ge3A = arith.constant 8 : i32
      %ge3A_262 = arith.cmpi sge, %scan3A_257, %ge3A : i32
      %convert_element_type3A = arith.extui %ge3A_262 : i1 to i32
      %cond3A = arith.constant 0 : i32
      %cond3A_263 = arith.cmpi ne, %convert_element_type3A, %cond3A : i32
      scf.if %cond3A_263 {
        %sub3A = arith.constant 8 : i32
        %sub3A_264 = arith.subi %scan3A_257, %sub3A : i32
        %dma_wait3A = arith.constant 0 : i32
        %dma_wait3A_265 = tpu.memref_slice %arg5[%sub3A_264, %dma_wait3A] : memref<125x80xi32, #tpu.memory_space<vmem>> -> memref<1x80xi32, #tpu.memory_space<vmem>>
        %dma_wait3A_266 = tpu.memref_squeeze %dma_wait3A_265 : memref<1x80xi32, #tpu.memory_space<vmem>> -> memref<80xi32, #tpu.memory_space<vmem>>
        %dma_wait3A_267 = arith.constant 0 : i32
        %dma_wait3A_268 = tpu.memref_slice %arg8[%dma_wait3A_267] : memref<10240xf32, #tpu.memory_space<vmem_shared>> -> memref<10240xf32, #tpu.memory_space<vmem_shared>>
        tpu.wait_indirect_dma semaphore(%arg9 : memref<!tpu.dma_semaphore, #tpu.memory_space<semaphore_mem>>) src(%arg6 : memref<80xf32, #tpu.memory_space<vmem>>) dst(%dma_wait3A_268 : memref<10240xf32, #tpu.memory_space<vmem_shared>>)
      } else {
      }
    }
    %scan3A_245 = arith.constant 125 : i32
    %scan3A_246 = arith.constant 0 : i32
    %scan3A_247 = arith.constant 117 : i32
    %scan3A_248 = arith.constant 8 : i32
    %scan3A_249 = arith.addi %scan3A_247, %scan3A_248 : i32
    %scan3A_250 = arith.constant 1 : i32
    scf.for %scan3A_257 = %scan3A_247 to %scan3A_249 step %scan3A_250  : i32 {
      %dma_wait3A = arith.constant 0 : i32
      %dma_wait3A_258 = tpu.memref_slice %arg5[%scan3A_257, %dma_wait3A] : memref<125x80xi32, #tpu.memory_space<vmem>> -> memref<1x80xi32, #tpu.memory_space<vmem>>
      %dma_wait3A_259 = tpu.memref_squeeze %dma_wait3A_258 : memref<1x80xi32, #tpu.memory_space<vmem>> -> memref<80xi32, #tpu.memory_space<vmem>>
      %dma_wait3A_260 = arith.constant 0 : i32
      %dma_wait3A_261 = tpu.memref_slice %arg8[%dma_wait3A_260] : memref<10240xf32, #tpu.memory_space<vmem_shared>> -> memref<10240xf32, #tpu.memory_space<vmem_shared>>
      tpu.wait_indirect_dma semaphore(%arg9 : memref<!tpu.dma_semaphore, #tpu.memory_space<semaphore_mem>>) src(%arg6 : memref<80xf32, #tpu.memory_space<vmem>>) dst(%dma_wait3A_261 : memref<10240xf32, #tpu.memory_space<vmem_shared>>)
    }
    %scan3A_251 = arith.constant 8 : i32
    %barrier3A_252 = arith.constant 0 : index
    tpu.barrier barrier_id(%barrier3A_252)
    %mul3A_253 = arith.constant 640 : i32
    %mul3A_254 = arith.muli %arg1, %mul3A_253 : i32
    %mul3A_255 = arith.constant 640 : i32
    %mul3A_256 = arith.muli %arg1, %mul3A_255 : i32
    "tpu.region"() ({
      %run_scoped3A_257 = tpu.sem_alloc : memref<!tpu.dma_semaphore, #tpu.memory_space<semaphore_mem>>
      %dma_start3A = tpu.memref_slice %arg4[%arg0, %mul3A_256] : memref<2x10240xf32, #tpu.memory_space<hbm>> -> memref<1x640xf32, #tpu.memory_space<hbm>>
      %dma_start3A_258 = tpu.memref_squeeze %dma_start3A : memref<1x640xf32, #tpu.memory_space<hbm>> -> memref<640xf32, #tpu.memory_space<hbm>>
      %dma_start3A_259 = tpu.memref_slice %arg8[%mul3A_254] : memref<10240xf32, #tpu.memory_space<vmem_shared>> -> memref<640xf32, #tpu.memory_space<vmem_shared>>
      tpu.enqueue_dma source(%dma_start3A_259 : memref<640xf32, #tpu.memory_space<vmem_shared>>) target(%dma_start3A_258 : memref<640xf32, #tpu.memory_space<hbm>>) target_semaphore(%run_scoped3A_257 : memref<!tpu.dma_semaphore, #tpu.memory_space<semaphore_mem>>)
      %dma_wait3A = tpu.memref_slice %arg4[%arg0, %mul3A_256] : memref<2x10240xf32, #tpu.memory_space<hbm>> -> memref<1x640xf32, #tpu.memory_space<hbm>>
      %dma_wait3A_260 = tpu.memref_squeeze %dma_wait3A : memref<1x640xf32, #tpu.memory_space<hbm>> -> memref<640xf32, #tpu.memory_space<hbm>>
      %dma_wait3A_261 = tpu.memref_slice %arg8[%mul3A_254] : memref<10240xf32, #tpu.memory_space<vmem_shared>> -> memref<640xf32, #tpu.memory_space<vmem_shared>>
      tpu.wait_dma2 semaphore(%run_scoped3A_257 : memref<!tpu.dma_semaphore, #tpu.memory_space<semaphore_mem>>) src(%dma_wait3A_261 : memref<640xf32, #tpu.memory_space<vmem_shared>>) dst(%dma_wait3A_260 : memref<640xf32, #tpu.memory_space<hbm>>)
      tpu.yield
    }) : () -> ()
    return
  }
}

#map = affine_map<(d0, d1) -> (0, 0)>
#map1 = affine_map<(d0, d1) -> (0, 0, 0, 0)>
#map2 = affine_map<(d0, d1) -> (0, 0, 0)>
module attributes {stable_mosaic.version = 14 : i64} {
  func.func @_sc_scatter(%arg0: i32, %arg1: i32, %arg2: memref<10000x128xf32, #tpu.memory_space<hbm>>, %arg3: memref<32x10000xi32, #tpu.memory_space<hbm>>, %arg4: memref<2x32x125x80xi32, #tpu.memory_space<hbm>>, %arg5: memref<10240x128xf32, #tpu.memory_space<hbm>>, %arg6: memref<2x10240x128xf32, #tpu.memory_space<hbm>>, %arg7: memref<10000xi32, #tpu.memory_space<vmem>>, %arg8: memref<125x80xi32, #tpu.memory_space<vmem>>, %arg9: memref<80x128xf32, #tpu.memory_space<vmem>>, %arg10: memref<80x128xf32, #tpu.memory_space<vmem>>, %arg11: memref<10240x128xf32, #tpu.memory_space<vmem_shared>>, %arg12: memref<!tpu.dma_semaphore, #tpu.memory_space<semaphore_mem>>, %arg13: memref<!tpu.dma_semaphore, #tpu.memory_space<semaphore_mem>>, %arg14: memref<!tpu.dma_semaphore, #tpu.memory_space<semaphore_mem>>, %arg15: memref<!tpu.dma_semaphore, #tpu.memory_space<semaphore_mem>>) attributes {dimension_semantics = [#tpu.dimension_semantics<core_parallel>, #tpu.dimension_semantics<subcore_parallel>], iteration_bounds = array<i64: 2, 16>, scalar_prefetch = 0 : i64, scratch_operands = 9 : i64, tpu.core_type = #tpu.core_type<sc_vector_subcore>, window_params = [{transform_indices = #map}, {transform_indices = #map}, {transform_indices = #map1}, {transform_indices = #map}, {transform_indices = #map2}]} {
    %mul3A = arith.constant 16 : i32
    %mul3A_0 = arith.muli %arg0, %mul3A : i32
    %add3A = arith.addi %mul3A_0, %arg1 : i32
    "tpu.region"() ({
      %run_scoped3A_62 = tpu.sem_alloc : memref<!tpu.dma_semaphore, #tpu.memory_space<semaphore_mem>>
      %dma_start3A_63 = arith.constant 0 : i32
      %dma_start3A_64 = tpu.memref_slice %arg3[%add3A, %dma_start3A_63] : memref<32x10000xi32, #tpu.memory_space<hbm>> -> memref<1x10000xi32, #tpu.memory_space<hbm>>
      %dma_start3A_65 = tpu.memref_squeeze %dma_start3A_64 : memref<1x10000xi32, #tpu.memory_space<hbm>> -> memref<10000xi32, #tpu.memory_space<hbm>>
      %dma_start3A_66 = arith.constant 0 : i32
      %dma_start3A_67 = tpu.memref_slice %arg3[%add3A, %dma_start3A_66] : memref<32x10000xi32, #tpu.memory_space<hbm>> -> memref<1x10000xi32, #tpu.memory_space<hbm>>
      %dma_start3A_68 = tpu.memref_squeeze %dma_start3A_67 : memref<1x10000xi32, #tpu.memory_space<hbm>> -> memref<10000xi32, #tpu.memory_space<hbm>>
      tpu.enqueue_dma source(%dma_start3A_68 : memref<10000xi32, #tpu.memory_space<hbm>>) target(%arg7 : memref<10000xi32, #tpu.memory_space<vmem>>) target_semaphore(%run_scoped3A_62 : memref<!tpu.dma_semaphore, #tpu.memory_space<semaphore_mem>>)
      %dma_wait3A_69 = arith.constant 0 : i32
      %dma_wait3A_70 = tpu.memref_slice %arg3[%add3A, %dma_wait3A_69] : memref<32x10000xi32, #tpu.memory_space<hbm>> -> memref<1x10000xi32, #tpu.memory_space<hbm>>
      %dma_wait3A_71 = tpu.memref_squeeze %dma_wait3A_70 : memref<1x10000xi32, #tpu.memory_space<hbm>> -> memref<10000xi32, #tpu.memory_space<hbm>>
      %dma_wait3A_72 = arith.constant 0 : i32
      %dma_wait3A_73 = tpu.memref_slice %arg3[%add3A, %dma_wait3A_72] : memref<32x10000xi32, #tpu.memory_space<hbm>> -> memref<1x10000xi32, #tpu.memory_space<hbm>>
      %dma_wait3A_74 = tpu.memref_squeeze %dma_wait3A_73 : memref<1x10000xi32, #tpu.memory_space<hbm>> -> memref<10000xi32, #tpu.memory_space<hbm>>
      tpu.wait_dma2 semaphore(%run_scoped3A_62 : memref<!tpu.dma_semaphore, #tpu.memory_space<semaphore_mem>>) src(%dma_wait3A_74 : memref<10000xi32, #tpu.memory_space<hbm>>) dst(%arg7 : memref<10000xi32, #tpu.memory_space<vmem>>)
      tpu.yield
    }) : () -> ()
    %dma_start3A = arith.constant 0 : i32
    %dma_start3A_1 = arith.constant 0 : i32
    %dma_start3A_2 = tpu.memref_slice %arg9[%dma_start3A, %dma_start3A_1] : memref<80x128xf32, #tpu.memory_space<vmem>> -> memref<40x128xf32, #tpu.memory_space<vmem>>
    %dma_start3A_3 = arith.constant 0 : i32
    %dma_start3A_4 = tpu.memref_slice %arg7[%dma_start3A_3] : memref<10000xi32, #tpu.memory_space<vmem>> -> memref<40xi32, #tpu.memory_space<vmem>>
    %dma_start3A_5 = arith.constant 0 : i32
    %dma_start3A_6 = arith.constant 0 : i32
    %dma_start3A_7 = tpu.memref_slice %arg2[%dma_start3A_5, %dma_start3A_6] : memref<10000x128xf32, #tpu.memory_space<hbm>> -> memref<10000x128xf32, #tpu.memory_space<hbm>>
    tpu.enqueue_indirect_dma source(%dma_start3A_7 : memref<10000x128xf32, #tpu.memory_space<hbm>>) target(%dma_start3A_2 : memref<40x128xf32, #tpu.memory_space<vmem>>) offsets(%dma_start3A_4 : memref<40xi32, #tpu.memory_space<vmem>>) semaphore(%arg12 : memref<!tpu.dma_semaphore, #tpu.memory_space<semaphore_mem>>)
    %dma_start3A_8 = arith.constant 40 : i32
    %dma_start3A_9 = arith.constant 0 : i32
    %dma_start3A_10 = tpu.memref_slice %arg9[%dma_start3A_8, %dma_start3A_9] : memref<80x128xf32, #tpu.memory_space<vmem>> -> memref<40x128xf32, #tpu.memory_space<vmem>>
    %dma_start3A_11 = arith.constant 40 : i32
    %dma_start3A_12 = tpu.memref_slice %arg7[%dma_start3A_11] : memref<10000xi32, #tpu.memory_space<vmem>> -> memref<40xi32, #tpu.memory_space<vmem>>
    %dma_start3A_13 = arith.constant 0 : i32
    %dma_start3A_14 = arith.constant 0 : i32
    %dma_start3A_15 = tpu.memref_slice %arg2[%dma_start3A_13, %dma_start3A_14] : memref<10000x128xf32, #tpu.memory_space<hbm>> -> memref<10000x128xf32, #tpu.memory_space<hbm>>
    tpu.enqueue_indirect_dma source(%dma_start3A_15 : memref<10000x128xf32, #tpu.memory_space<hbm>>) target(%dma_start3A_10 : memref<40x128xf32, #tpu.memory_space<vmem>>) offsets(%dma_start3A_12 : memref<40xi32, #tpu.memory_space<vmem>>) semaphore(%arg12 : memref<!tpu.dma_semaphore, #tpu.memory_space<semaphore_mem>>)
    %dma_start3A_16 = arith.constant 0 : i32
    %dma_start3A_17 = arith.constant 0 : i32
    %dma_start3A_18 = tpu.memref_slice %arg10[%dma_start3A_16, %dma_start3A_17] : memref<80x128xf32, #tpu.memory_space<vmem>> -> memref<40x128xf32, #tpu.memory_space<vmem>>
    %dma_start3A_19 = arith.constant 80 : i32
    %dma_start3A_20 = tpu.memref_slice %arg7[%dma_start3A_19] : memref<10000xi32, #tpu.memory_space<vmem>> -> memref<40xi32, #tpu.memory_space<vmem>>
    %dma_start3A_21 = arith.constant 0 : i32
    %dma_start3A_22 = arith.constant 0 : i32
    %dma_start3A_23 = tpu.memref_slice %arg2[%dma_start3A_21, %dma_start3A_22] : memref<10000x128xf32, #tpu.memory_space<hbm>> -> memref<10000x128xf32, #tpu.memory_space<hbm>>
    tpu.enqueue_indirect_dma source(%dma_start3A_23 : memref<10000x128xf32, #tpu.memory_space<hbm>>) target(%dma_start3A_18 : memref<40x128xf32, #tpu.memory_space<vmem>>) offsets(%dma_start3A_20 : memref<40xi32, #tpu.memory_space<vmem>>) semaphore(%arg13 : memref<!tpu.dma_semaphore, #tpu.memory_space<semaphore_mem>>)
    %dma_start3A_24 = arith.constant 40 : i32
    %dma_start3A_25 = arith.constant 0 : i32
    %dma_start3A_26 = tpu.memref_slice %arg10[%dma_start3A_24, %dma_start3A_25] : memref<80x128xf32, #tpu.memory_space<vmem>> -> memref<40x128xf32, #tpu.memory_space<vmem>>
    %dma_start3A_27 = arith.constant 120 : i32
    %dma_start3A_28 = tpu.memref_slice %arg7[%dma_start3A_27] : memref<10000xi32, #tpu.memory_space<vmem>> -> memref<40xi32, #tpu.memory_space<vmem>>
    %dma_start3A_29 = arith.constant 0 : i32
    %dma_start3A_30 = arith.constant 0 : i32
    %dma_start3A_31 = tpu.memref_slice %arg2[%dma_start3A_29, %dma_start3A_30] : memref<10000x128xf32, #tpu.memory_space<hbm>> -> memref<10000x128xf32, #tpu.memory_space<hbm>>
    tpu.enqueue_indirect_dma source(%dma_start3A_31 : memref<10000x128xf32, #tpu.memory_space<hbm>>) target(%dma_start3A_26 : memref<40x128xf32, #tpu.memory_space<vmem>>) offsets(%dma_start3A_28 : memref<40xi32, #tpu.memory_space<vmem>>) semaphore(%arg13 : memref<!tpu.dma_semaphore, #tpu.memory_space<semaphore_mem>>)
    %run_scoped3A = arith.constant 1 : i32
    "tpu.region"() ({
      %run_scoped3A_62 = tpu.sem_alloc : memref<!tpu.dma_semaphore, #tpu.memory_space<semaphore_mem>>
      %dma_start3A_63 = arith.constant 0 : i32
      %dma_start3A_64 = arith.constant 0 : i32
      %dma_start3A_65 = tpu.memref_slice %arg4[%run_scoped3A, %add3A, %dma_start3A_63, %dma_start3A_64] : memref<2x32x125x80xi32, #tpu.memory_space<hbm>> -> memref<1x1x125x80xi32, #tpu.memory_space<hbm>>
      %dma_start3A_66 = tpu.memref_squeeze %dma_start3A_65 : memref<1x1x125x80xi32, #tpu.memory_space<hbm>> -> memref<125x80xi32, #tpu.memory_space<hbm>>
      %dma_start3A_67 = arith.constant 0 : i32
      %dma_start3A_68 = arith.constant 0 : i32
      %dma_start3A_69 = tpu.memref_slice %arg4[%run_scoped3A, %add3A, %dma_start3A_67, %dma_start3A_68] : memref<2x32x125x80xi32, #tpu.memory_space<hbm>> -> memref<1x1x125x80xi32, #tpu.memory_space<hbm>>
      %dma_start3A_70 = tpu.memref_squeeze %dma_start3A_69 : memref<1x1x125x80xi32, #tpu.memory_space<hbm>> -> memref<125x80xi32, #tpu.memory_space<hbm>>
      tpu.enqueue_dma source(%dma_start3A_70 : memref<125x80xi32, #tpu.memory_space<hbm>>) target(%arg8 : memref<125x80xi32, #tpu.memory_space<vmem>>) target_semaphore(%run_scoped3A_62 : memref<!tpu.dma_semaphore, #tpu.memory_space<semaphore_mem>>)
      %dma_wait3A_71 = arith.constant 0 : i32
      %dma_wait3A_72 = arith.constant 0 : i32
      %dma_wait3A_73 = tpu.memref_slice %arg4[%run_scoped3A, %add3A, %dma_wait3A_71, %dma_wait3A_72] : memref<2x32x125x80xi32, #tpu.memory_space<hbm>> -> memref<1x1x125x80xi32, #tpu.memory_space<hbm>>
      %dma_wait3A_74 = tpu.memref_squeeze %dma_wait3A_73 : memref<1x1x125x80xi32, #tpu.memory_space<hbm>> -> memref<125x80xi32, #tpu.memory_space<hbm>>
      %dma_wait3A_75 = arith.constant 0 : i32
      %dma_wait3A_76 = arith.constant 0 : i32
      %dma_wait3A_77 = tpu.memref_slice %arg4[%run_scoped3A, %add3A, %dma_wait3A_75, %dma_wait3A_76] : memref<2x32x125x80xi32, #tpu.memory_space<hbm>> -> memref<1x1x125x80xi32, #tpu.memory_space<hbm>>
      %dma_wait3A_78 = tpu.memref_squeeze %dma_wait3A_77 : memref<1x1x125x80xi32, #tpu.memory_space<hbm>> -> memref<125x80xi32, #tpu.memory_space<hbm>>
      tpu.wait_dma2 semaphore(%run_scoped3A_62 : memref<!tpu.dma_semaphore, #tpu.memory_space<semaphore_mem>>) src(%dma_wait3A_78 : memref<125x80xi32, #tpu.memory_space<hbm>>) dst(%arg8 : memref<125x80xi32, #tpu.memory_space<vmem>>)
      tpu.yield
    }) : () -> ()
    %mul3A_32 = arith.constant 640 : i32
    %mul3A_33 = arith.muli %arg1, %mul3A_32 : i32
    %mul3A_34 = arith.constant 640 : i32
    %mul3A_35 = arith.muli %arg1, %mul3A_34 : i32
    "tpu.region"() ({
      %run_scoped3A_62 = tpu.sem_alloc : memref<!tpu.dma_semaphore, #tpu.memory_space<semaphore_mem>>
      %dma_start3A_63 = arith.constant 0 : i32
      %dma_start3A_64 = tpu.memref_slice %arg11[%mul3A_35, %dma_start3A_63] : memref<10240x128xf32, #tpu.memory_space<vmem_shared>> -> memref<640x128xf32, #tpu.memory_space<vmem_shared>>
      %dma_start3A_65 = arith.constant 0 : i32
      %dma_start3A_66 = tpu.memref_slice %arg5[%mul3A_33, %dma_start3A_65] : memref<10240x128xf32, #tpu.memory_space<hbm>> -> memref<640x128xf32, #tpu.memory_space<hbm>>
      tpu.enqueue_dma source(%dma_start3A_66 : memref<640x128xf32, #tpu.memory_space<hbm>>) target(%dma_start3A_64 : memref<640x128xf32, #tpu.memory_space<vmem_shared>>) target_semaphore(%run_scoped3A_62 : memref<!tpu.dma_semaphore, #tpu.memory_space<semaphore_mem>>)
      %dma_wait3A_67 = arith.constant 0 : i32
      %dma_wait3A_68 = tpu.memref_slice %arg11[%mul3A_35, %dma_wait3A_67] : memref<10240x128xf32, #tpu.memory_space<vmem_shared>> -> memref<640x128xf32, #tpu.memory_space<vmem_shared>>
      %dma_wait3A_69 = arith.constant 0 : i32
      %dma_wait3A_70 = tpu.memref_slice %arg5[%mul3A_33, %dma_wait3A_69] : memref<10240x128xf32, #tpu.memory_space<hbm>> -> memref<640x128xf32, #tpu.memory_space<hbm>>
      tpu.wait_dma2 semaphore(%run_scoped3A_62 : memref<!tpu.dma_semaphore, #tpu.memory_space<semaphore_mem>>) src(%dma_wait3A_70 : memref<640x128xf32, #tpu.memory_space<hbm>>) dst(%dma_wait3A_68 : memref<640x128xf32, #tpu.memory_space<vmem_shared>>)
      tpu.yield
    }) : () -> ()
    %barrier3A = arith.constant 0 : index
    tpu.barrier barrier_id(%barrier3A)
    %scan3A = arith.constant 0 : i32
    %scan3A_36 = arith.constant 0 : i32
    %scan3A_37 = arith.constant 62 : i32
    %scan3A_38 = arith.addi %scan3A_36, %scan3A_37 : i32
    %scan3A_39 = arith.constant 1 : i32
    scf.for %scan3A_62 = %scan3A_36 to %scan3A_38 step %scan3A_39  : i32 {
      %mul3A_63 = arith.constant 2 : i32
      %mul3A_64 = arith.muli %scan3A_62, %mul3A_63 : i32
      %mul3A_65 = arith.constant 80 : i32
      %mul3A_66 = arith.muli %mul3A_64, %mul3A_65 : i32
      %dma_wait3A_67 = arith.constant 0 : i32
      %dma_wait3A_68 = arith.constant 0 : i32
      %dma_wait3A_69 = tpu.memref_slice %arg9[%dma_wait3A_67, %dma_wait3A_68] : memref<80x128xf32, #tpu.memory_space<vmem>> -> memref<40x128xf32, #tpu.memory_space<vmem>>
      %dma_wait3A_70 = tpu.memref_slice %arg7[%mul3A_66] : memref<10000xi32, #tpu.memory_space<vmem>> -> memref<40xi32, #tpu.memory_space<vmem>>
      %dma_wait3A_71 = arith.constant 0 : i32
      %dma_wait3A_72 = arith.constant 0 : i32
      %dma_wait3A_73 = tpu.memref_slice %arg2[%dma_wait3A_71, %dma_wait3A_72] : memref<10000x128xf32, #tpu.memory_space<hbm>> -> memref<10000x128xf32, #tpu.memory_space<hbm>>
      tpu.wait_indirect_dma semaphore(%arg12 : memref<!tpu.dma_semaphore, #tpu.memory_space<semaphore_mem>>) src(%dma_wait3A_73 : memref<10000x128xf32, #tpu.memory_space<hbm>>) dst(%dma_wait3A_69 : memref<40x128xf32, #tpu.memory_space<vmem>>)
      %mul3A_74 = arith.constant 80 : i32
      %mul3A_75 = arith.muli %mul3A_64, %mul3A_74 : i32
      %add3A_76 = arith.constant 40 : i32
      %add3A_77 = arith.addi %mul3A_75, %add3A_76 : i32
      %dma_wait3A_78 = arith.constant 40 : i32
      %dma_wait3A_79 = arith.constant 0 : i32
      %dma_wait3A_80 = tpu.memref_slice %arg9[%dma_wait3A_78, %dma_wait3A_79] : memref<80x128xf32, #tpu.memory_space<vmem>> -> memref<40x128xf32, #tpu.memory_space<vmem>>
      %dma_wait3A_81 = tpu.memref_slice %arg7[%add3A_77] : memref<10000xi32, #tpu.memory_space<vmem>> -> memref<40xi32, #tpu.memory_space<vmem>>
      %dma_wait3A_82 = arith.constant 0 : i32
      %dma_wait3A_83 = arith.constant 0 : i32
      %dma_wait3A_84 = tpu.memref_slice %arg2[%dma_wait3A_82, %dma_wait3A_83] : memref<10000x128xf32, #tpu.memory_space<hbm>> -> memref<10000x128xf32, #tpu.memory_space<hbm>>
      tpu.wait_indirect_dma semaphore(%arg12 : memref<!tpu.dma_semaphore, #tpu.memory_space<semaphore_mem>>) src(%dma_wait3A_84 : memref<10000x128xf32, #tpu.memory_space<hbm>>) dst(%dma_wait3A_80 : memref<40x128xf32, #tpu.memory_space<vmem>>)
      "tpu.region"() ({
        %run_scoped3A_118 = tpu.sem_alloc : memref<!tpu.dma_semaphore, #tpu.memory_space<semaphore_mem>>
        %dma_start3A_119 = arith.constant 0 : i32
        %dma_start3A_120 = tpu.memref_slice %arg8[%mul3A_64, %dma_start3A_119] : memref<125x80xi32, #tpu.memory_space<vmem>> -> memref<1x80xi32, #tpu.memory_space<vmem>>
        %dma_start3A_121 = tpu.memref_squeeze %dma_start3A_120 : memref<1x80xi32, #tpu.memory_space<vmem>> -> memref<80xi32, #tpu.memory_space<vmem>>
        %dma_start3A_122 = arith.constant 0 : i32
        %dma_start3A_123 = arith.constant 0 : i32
        %dma_start3A_124 = tpu.memref_slice %arg11[%dma_start3A_122, %dma_start3A_123] : memref<10240x128xf32, #tpu.memory_space<vmem_shared>> -> memref<10240x128xf32, #tpu.memory_space<vmem_shared>>
        tpu.enqueue_indirect_dma source(%arg9 : memref<80x128xf32, #tpu.memory_space<vmem>>) target(%dma_start3A_124 : memref<10240x128xf32, #tpu.memory_space<vmem_shared>>) offsets(%dma_start3A_121 : memref<80xi32, #tpu.memory_space<vmem>>) semaphore(%run_scoped3A_118 : memref<!tpu.dma_semaphore, #tpu.memory_space<semaphore_mem>>) {add = true}
        %dma_wait3A_125 = arith.constant 0 : i32
        %dma_wait3A_126 = tpu.memref_slice %arg8[%mul3A_64, %dma_wait3A_125] : memref<125x80xi32, #tpu.memory_space<vmem>> -> memref<1x80xi32, #tpu.memory_space<vmem>>
        %dma_wait3A_127 = tpu.memref_squeeze %dma_wait3A_126 : memref<1x80xi32, #tpu.memory_space<vmem>> -> memref<80xi32, #tpu.memory_space<vmem>>
        %dma_wait3A_128 = arith.constant 0 : i32
        %dma_wait3A_129 = arith.constant 0 : i32
        %dma_wait3A_130 = tpu.memref_slice %arg11[%dma_wait3A_128, %dma_wait3A_129] : memref<10240x128xf32, #tpu.memory_space<vmem_shared>> -> memref<10240x128xf32, #tpu.memory_space<vmem_shared>>
        tpu.wait_indirect_dma semaphore(%run_scoped3A_118 : memref<!tpu.dma_semaphore, #tpu.memory_space<semaphore_mem>>) src(%arg9 : memref<80x128xf32, #tpu.memory_space<vmem>>) dst(%dma_wait3A_130 : memref<10240x128xf32, #tpu.memory_space<vmem_shared>>)
        tpu.yield
      }) : () -> ()
      %add3A_85 = arith.constant 2 : i32
      %add3A_86 = arith.addi %mul3A_64, %add3A_85 : i32
      %lt3A = arith.constant 125 : i32
      %lt3A_87 = arith.cmpi slt, %add3A_86, %lt3A : i32
      %convert_element_type3A = arith.extui %lt3A_87 : i1 to i32
      %cond3A = arith.constant 0 : i32
      %cond3A_88 = arith.cmpi ne, %convert_element_type3A, %cond3A : i32
      scf.if %cond3A_88 {
        %add3A_118 = arith.constant 2 : i32
        %add3A_119 = arith.addi %mul3A_64, %add3A_118 : i32
        %mul3A_120 = arith.constant 80 : i32
        %mul3A_121 = arith.muli %add3A_119, %mul3A_120 : i32
        %dma_start3A_122 = arith.constant 0 : i32
        %dma_start3A_123 = arith.constant 0 : i32
        %dma_start3A_124 = tpu.memref_slice %arg9[%dma_start3A_122, %dma_start3A_123] : memref<80x128xf32, #tpu.memory_space<vmem>> -> memref<40x128xf32, #tpu.memory_space<vmem>>
        %dma_start3A_125 = tpu.memref_slice %arg7[%mul3A_121] : memref<10000xi32, #tpu.memory_space<vmem>> -> memref<40xi32, #tpu.memory_space<vmem>>
        %dma_start3A_126 = arith.constant 0 : i32
        %dma_start3A_127 = arith.constant 0 : i32
        %dma_start3A_128 = tpu.memref_slice %arg2[%dma_start3A_126, %dma_start3A_127] : memref<10000x128xf32, #tpu.memory_space<hbm>> -> memref<10000x128xf32, #tpu.memory_space<hbm>>
        tpu.enqueue_indirect_dma source(%dma_start3A_128 : memref<10000x128xf32, #tpu.memory_space<hbm>>) target(%dma_start3A_124 : memref<40x128xf32, #tpu.memory_space<vmem>>) offsets(%dma_start3A_125 : memref<40xi32, #tpu.memory_space<vmem>>) semaphore(%arg12 : memref<!tpu.dma_semaphore, #tpu.memory_space<semaphore_mem>>)
        %mul3A_129 = arith.constant 80 : i32
        %mul3A_130 = arith.muli %add3A_119, %mul3A_129 : i32
        %add3A_131 = arith.constant 40 : i32
        %add3A_132 = arith.addi %mul3A_130, %add3A_131 : i32
        %dma_start3A_133 = arith.constant 40 : i32
        %dma_start3A_134 = arith.constant 0 : i32
        %dma_start3A_135 = tpu.memref_slice %arg9[%dma_start3A_133, %dma_start3A_134] : memref<80x128xf32, #tpu.memory_space<vmem>> -> memref<40x128xf32, #tpu.memory_space<vmem>>
        %dma_start3A_136 = tpu.memref_slice %arg7[%add3A_132] : memref<10000xi32, #tpu.memory_space<vmem>> -> memref<40xi32, #tpu.memory_space<vmem>>
        %dma_start3A_137 = arith.constant 0 : i32
        %dma_start3A_138 = arith.constant 0 : i32
        %dma_start3A_139 = tpu.memref_slice %arg2[%dma_start3A_137, %dma_start3A_138] : memref<10000x128xf32, #tpu.memory_space<hbm>> -> memref<10000x128xf32, #tpu.memory_space<hbm>>
        tpu.enqueue_indirect_dma source(%dma_start3A_139 : memref<10000x128xf32, #tpu.memory_space<hbm>>) target(%dma_start3A_135 : memref<40x128xf32, #tpu.memory_space<vmem>>) offsets(%dma_start3A_136 : memref<40xi32, #tpu.memory_space<vmem>>) semaphore(%arg12 : memref<!tpu.dma_semaphore, #tpu.memory_space<semaphore_mem>>)
      } else {
      }
      %add3A_89 = arith.constant 1 : i32
      %add3A_90 = arith.addi %mul3A_64, %add3A_89 : i32
      %mul3A_91 = arith.constant 80 : i32
      %mul3A_92 = arith.muli %add3A_90, %mul3A_91 : i32
      %dma_wait3A_93 = arith.constant 0 : i32
      %dma_wait3A_94 = arith.constant 0 : i32
      %dma_wait3A_95 = tpu.memref_slice %arg10[%dma_wait3A_93, %dma_wait3A_94] : memref<80x128xf32, #tpu.memory_space<vmem>> -> memref<40x128xf32, #tpu.memory_space<vmem>>
      %dma_wait3A_96 = tpu.memref_slice %arg7[%mul3A_92] : memref<10000xi32, #tpu.memory_space<vmem>> -> memref<40xi32, #tpu.memory_space<vmem>>
      %dma_wait3A_97 = arith.constant 0 : i32
      %dma_wait3A_98 = arith.constant 0 : i32
      %dma_wait3A_99 = tpu.memref_slice %arg2[%dma_wait3A_97, %dma_wait3A_98] : memref<10000x128xf32, #tpu.memory_space<hbm>> -> memref<10000x128xf32, #tpu.memory_space<hbm>>
      tpu.wait_indirect_dma semaphore(%arg13 : memref<!tpu.dma_semaphore, #tpu.memory_space<semaphore_mem>>) src(%dma_wait3A_99 : memref<10000x128xf32, #tpu.memory_space<hbm>>) dst(%dma_wait3A_95 : memref<40x128xf32, #tpu.memory_space<vmem>>)
      %mul3A_100 = arith.constant 80 : i32
      %mul3A_101 = arith.muli %add3A_90, %mul3A_100 : i32
      %add3A_102 = arith.constant 40 : i32
      %add3A_103 = arith.addi %mul3A_101, %add3A_102 : i32
      %dma_wait3A_104 = arith.constant 40 : i32
      %dma_wait3A_105 = arith.constant 0 : i32
      %dma_wait3A_106 = tpu.memref_slice %arg10[%dma_wait3A_104, %dma_wait3A_105] : memref<80x128xf32, #tpu.memory_space<vmem>> -> memref<40x128xf32, #tpu.memory_space<vmem>>
      %dma_wait3A_107 = tpu.memref_slice %arg7[%add3A_103] : memref<10000xi32, #tpu.memory_space<vmem>> -> memref<40xi32, #tpu.memory_space<vmem>>
      %dma_wait3A_108 = arith.constant 0 : i32
      %dma_wait3A_109 = arith.constant 0 : i32
      %dma_wait3A_110 = tpu.memref_slice %arg2[%dma_wait3A_108, %dma_wait3A_109] : memref<10000x128xf32, #tpu.memory_space<hbm>> -> memref<10000x128xf32, #tpu.memory_space<hbm>>
      tpu.wait_indirect_dma semaphore(%arg13 : memref<!tpu.dma_semaphore, #tpu.memory_space<semaphore_mem>>) src(%dma_wait3A_110 : memref<10000x128xf32, #tpu.memory_space<hbm>>) dst(%dma_wait3A_106 : memref<40x128xf32, #tpu.memory_space<vmem>>)
      "tpu.region"() ({
        %run_scoped3A_118 = tpu.sem_alloc : memref<!tpu.dma_semaphore, #tpu.memory_space<semaphore_mem>>
        %dma_start3A_119 = arith.constant 0 : i32
        %dma_start3A_120 = tpu.memref_slice %arg8[%add3A_90, %dma_start3A_119] : memref<125x80xi32, #tpu.memory_space<vmem>> -> memref<1x80xi32, #tpu.memory_space<vmem>>
        %dma_start3A_121 = tpu.memref_squeeze %dma_start3A_120 : memref<1x80xi32, #tpu.memory_space<vmem>> -> memref<80xi32, #tpu.memory_space<vmem>>
        %dma_start3A_122 = arith.constant 0 : i32
        %dma_start3A_123 = arith.constant 0 : i32
        %dma_start3A_124 = tpu.memref_slice %arg11[%dma_start3A_122, %dma_start3A_123] : memref<10240x128xf32, #tpu.memory_space<vmem_shared>> -> memref<10240x128xf32, #tpu.memory_space<vmem_shared>>
        tpu.enqueue_indirect_dma source(%arg10 : memref<80x128xf32, #tpu.memory_space<vmem>>) target(%dma_start3A_124 : memref<10240x128xf32, #tpu.memory_space<vmem_shared>>) offsets(%dma_start3A_121 : memref<80xi32, #tpu.memory_space<vmem>>) semaphore(%run_scoped3A_118 : memref<!tpu.dma_semaphore, #tpu.memory_space<semaphore_mem>>) {add = true}
        %dma_wait3A_125 = arith.constant 0 : i32
        %dma_wait3A_126 = tpu.memref_slice %arg8[%add3A_90, %dma_wait3A_125] : memref<125x80xi32, #tpu.memory_space<vmem>> -> memref<1x80xi32, #tpu.memory_space<vmem>>
        %dma_wait3A_127 = tpu.memref_squeeze %dma_wait3A_126 : memref<1x80xi32, #tpu.memory_space<vmem>> -> memref<80xi32, #tpu.memory_space<vmem>>
        %dma_wait3A_128 = arith.constant 0 : i32
        %dma_wait3A_129 = arith.constant 0 : i32
        %dma_wait3A_130 = tpu.memref_slice %arg11[%dma_wait3A_128, %dma_wait3A_129] : memref<10240x128xf32, #tpu.memory_space<vmem_shared>> -> memref<10240x128xf32, #tpu.memory_space<vmem_shared>>
        tpu.wait_indirect_dma semaphore(%run_scoped3A_118 : memref<!tpu.dma_semaphore, #tpu.memory_space<semaphore_mem>>) src(%arg10 : memref<80x128xf32, #tpu.memory_space<vmem>>) dst(%dma_wait3A_130 : memref<10240x128xf32, #tpu.memory_space<vmem_shared>>)
        tpu.yield
      }) : () -> ()
      %add3A_111 = arith.constant 2 : i32
      %add3A_112 = arith.addi %add3A_90, %add3A_111 : i32
      %lt3A_113 = arith.constant 125 : i32
      %lt3A_114 = arith.cmpi slt, %add3A_112, %lt3A_113 : i32
      %convert_element_type3A_115 = arith.extui %lt3A_114 : i1 to i32
      %cond3A_116 = arith.constant 0 : i32
      %cond3A_117 = arith.cmpi ne, %convert_element_type3A_115, %cond3A_116 : i32
      scf.if %cond3A_117 {
        %add3A_118 = arith.constant 2 : i32
        %add3A_119 = arith.addi %add3A_90, %add3A_118 : i32
        %mul3A_120 = arith.constant 80 : i32
        %mul3A_121 = arith.muli %add3A_119, %mul3A_120 : i32
        %dma_start3A_122 = arith.constant 0 : i32
        %dma_start3A_123 = arith.constant 0 : i32
        %dma_start3A_124 = tpu.memref_slice %arg10[%dma_start3A_122, %dma_start3A_123] : memref<80x128xf32, #tpu.memory_space<vmem>> -> memref<40x128xf32, #tpu.memory_space<vmem>>
        %dma_start3A_125 = tpu.memref_slice %arg7[%mul3A_121] : memref<10000xi32, #tpu.memory_space<vmem>> -> memref<40xi32, #tpu.memory_space<vmem>>
        %dma_start3A_126 = arith.constant 0 : i32
        %dma_start3A_127 = arith.constant 0 : i32
        %dma_start3A_128 = tpu.memref_slice %arg2[%dma_start3A_126, %dma_start3A_127] : memref<10000x128xf32, #tpu.memory_space<hbm>> -> memref<10000x128xf32, #tpu.memory_space<hbm>>
        tpu.enqueue_indirect_dma source(%dma_start3A_128 : memref<10000x128xf32, #tpu.memory_space<hbm>>) target(%dma_start3A_124 : memref<40x128xf32, #tpu.memory_space<vmem>>) offsets(%dma_start3A_125 : memref<40xi32, #tpu.memory_space<vmem>>) semaphore(%arg13 : memref<!tpu.dma_semaphore, #tpu.memory_space<semaphore_mem>>)
        %mul3A_129 = arith.constant 80 : i32
        %mul3A_130 = arith.muli %add3A_119, %mul3A_129 : i32
        %add3A_131 = arith.constant 40 : i32
        %add3A_132 = arith.addi %mul3A_130, %add3A_131 : i32
        %dma_start3A_133 = arith.constant 40 : i32
        %dma_start3A_134 = arith.constant 0 : i32
        %dma_start3A_135 = tpu.memref_slice %arg10[%dma_start3A_133, %dma_start3A_134] : memref<80x128xf32, #tpu.memory_space<vmem>> -> memref<40x128xf32, #tpu.memory_space<vmem>>
        %dma_start3A_136 = tpu.memref_slice %arg7[%add3A_132] : memref<10000xi32, #tpu.memory_space<vmem>> -> memref<40xi32, #tpu.memory_space<vmem>>
        %dma_start3A_137 = arith.constant 0 : i32
        %dma_start3A_138 = arith.constant 0 : i32
        %dma_start3A_139 = tpu.memref_slice %arg2[%dma_start3A_137, %dma_start3A_138] : memref<10000x128xf32, #tpu.memory_space<hbm>> -> memref<10000x128xf32, #tpu.memory_space<hbm>>
        tpu.enqueue_indirect_dma source(%dma_start3A_139 : memref<10000x128xf32, #tpu.memory_space<hbm>>) target(%dma_start3A_135 : memref<40x128xf32, #tpu.memory_space<vmem>>) offsets(%dma_start3A_136 : memref<40xi32, #tpu.memory_space<vmem>>) semaphore(%arg13 : memref<!tpu.dma_semaphore, #tpu.memory_space<semaphore_mem>>)
      } else {
      }
    }
    %scan3A_40 = arith.constant 62 : i32
    %dma_wait3A = arith.constant 0 : i32
    %dma_wait3A_41 = arith.constant 0 : i32
    %dma_wait3A_42 = tpu.memref_slice %arg9[%dma_wait3A, %dma_wait3A_41] : memref<80x128xf32, #tpu.memory_space<vmem>> -> memref<40x128xf32, #tpu.memory_space<vmem>>
    %dma_wait3A_43 = arith.constant 9920 : i32
    %dma_wait3A_44 = tpu.memref_slice %arg7[%dma_wait3A_43] : memref<10000xi32, #tpu.memory_space<vmem>> -> memref<40xi32, #tpu.memory_space<vmem>>
    %dma_wait3A_45 = arith.constant 0 : i32
    %dma_wait3A_46 = arith.constant 0 : i32
    %dma_wait3A_47 = tpu.memref_slice %arg2[%dma_wait3A_45, %dma_wait3A_46] : memref<10000x128xf32, #tpu.memory_space<hbm>> -> memref<10000x128xf32, #tpu.memory_space<hbm>>
    tpu.wait_indirect_dma semaphore(%arg12 : memref<!tpu.dma_semaphore, #tpu.memory_space<semaphore_mem>>) src(%dma_wait3A_47 : memref<10000x128xf32, #tpu.memory_space<hbm>>) dst(%dma_wait3A_42 : memref<40x128xf32, #tpu.memory_space<vmem>>)
    %dma_wait3A_48 = arith.constant 40 : i32
    %dma_wait3A_49 = arith.constant 0 : i32
    %dma_wait3A_50 = tpu.memref_slice %arg9[%dma_wait3A_48, %dma_wait3A_49] : memref<80x128xf32, #tpu.memory_space<vmem>> -> memref<40x128xf32, #tpu.memory_space<vmem>>
    %dma_wait3A_51 = arith.constant 9960 : i32
    %dma_wait3A_52 = tpu.memref_slice %arg7[%dma_wait3A_51] : memref<10000xi32, #tpu.memory_space<vmem>> -> memref<40xi32, #tpu.memory_space<vmem>>
    %dma_wait3A_53 = arith.constant 0 : i32
    %dma_wait3A_54 = arith.constant 0 : i32
    %dma_wait3A_55 = tpu.memref_slice %arg2[%dma_wait3A_53, %dma_wait3A_54] : memref<10000x128xf32, #tpu.memory_space<hbm>> -> memref<10000x128xf32, #tpu.memory_space<hbm>>
    tpu.wait_indirect_dma semaphore(%arg12 : memref<!tpu.dma_semaphore, #tpu.memory_space<semaphore_mem>>) src(%dma_wait3A_55 : memref<10000x128xf32, #tpu.memory_space<hbm>>) dst(%dma_wait3A_50 : memref<40x128xf32, #tpu.memory_space<vmem>>)
    %run_scoped3A_56 = arith.constant 124 : i32
    "tpu.region"() ({
      %run_scoped3A_62 = tpu.sem_alloc : memref<!tpu.dma_semaphore, #tpu.memory_space<semaphore_mem>>
      %dma_start3A_63 = arith.constant 0 : i32
      %dma_start3A_64 = tpu.memref_slice %arg8[%run_scoped3A_56, %dma_start3A_63] : memref<125x80xi32, #tpu.memory_space<vmem>> -> memref<1x80xi32, #tpu.memory_space<vmem>>
      %dma_start3A_65 = tpu.memref_squeeze %dma_start3A_64 : memref<1x80xi32, #tpu.memory_space<vmem>> -> memref<80xi32, #tpu.memory_space<vmem>>
      %dma_start3A_66 = arith.constant 0 : i32
      %dma_start3A_67 = arith.constant 0 : i32
      %dma_start3A_68 = tpu.memref_slice %arg11[%dma_start3A_66, %dma_start3A_67] : memref<10240x128xf32, #tpu.memory_space<vmem_shared>> -> memref<10240x128xf32, #tpu.memory_space<vmem_shared>>
      tpu.enqueue_indirect_dma source(%arg9 : memref<80x128xf32, #tpu.memory_space<vmem>>) target(%dma_start3A_68 : memref<10240x128xf32, #tpu.memory_space<vmem_shared>>) offsets(%dma_start3A_65 : memref<80xi32, #tpu.memory_space<vmem>>) semaphore(%run_scoped3A_62 : memref<!tpu.dma_semaphore, #tpu.memory_space<semaphore_mem>>) {add = true}
      %dma_wait3A_69 = arith.constant 0 : i32
      %dma_wait3A_70 = tpu.memref_slice %arg8[%run_scoped3A_56, %dma_wait3A_69] : memref<125x80xi32, #tpu.memory_space<vmem>> -> memref<1x80xi32, #tpu.memory_space<vmem>>
      %dma_wait3A_71 = tpu.memref_squeeze %dma_wait3A_70 : memref<1x80xi32, #tpu.memory_space<vmem>> -> memref<80xi32, #tpu.memory_space<vmem>>
      %dma_wait3A_72 = arith.constant 0 : i32
      %dma_wait3A_73 = arith.constant 0 : i32
      %dma_wait3A_74 = tpu.memref_slice %arg11[%dma_wait3A_72, %dma_wait3A_73] : memref<10240x128xf32, #tpu.memory_space<vmem_shared>> -> memref<10240x128xf32, #tpu.memory_space<vmem_shared>>
      tpu.wait_indirect_dma semaphore(%run_scoped3A_62 : memref<!tpu.dma_semaphore, #tpu.memory_space<semaphore_mem>>) src(%arg9 : memref<80x128xf32, #tpu.memory_space<vmem>>) dst(%dma_wait3A_74 : memref<10240x128xf32, #tpu.memory_space<vmem_shared>>)
      tpu.yield
    }) : () -> ()
    %barrier3A_57 = arith.constant 0 : index
    tpu.barrier barrier_id(%barrier3A_57)
    %mul3A_58 = arith.constant 640 : i32
    %mul3A_59 = arith.muli %arg1, %mul3A_58 : i32
    %mul3A_60 = arith.constant 640 : i32
    %mul3A_61 = arith.muli %arg1, %mul3A_60 : i32
    "tpu.region"() ({
      %run_scoped3A_62 = tpu.sem_alloc : memref<!tpu.dma_semaphore, #tpu.memory_space<semaphore_mem>>
      %dma_start3A_63 = arith.constant 0 : i32
      %dma_start3A_64 = tpu.memref_slice %arg6[%arg0, %mul3A_61, %dma_start3A_63] : memref<2x10240x128xf32, #tpu.memory_space<hbm>> -> memref<1x640x128xf32, #tpu.memory_space<hbm>>
      %dma_start3A_65 = tpu.memref_squeeze %dma_start3A_64 : memref<1x640x128xf32, #tpu.memory_space<hbm>> -> memref<640x128xf32, #tpu.memory_space<hbm>>
      %dma_start3A_66 = arith.constant 0 : i32
      %dma_start3A_67 = tpu.memref_slice %arg11[%mul3A_59, %dma_start3A_66] : memref<10240x128xf32, #tpu.memory_space<vmem_shared>> -> memref<640x128xf32, #tpu.memory_space<vmem_shared>>
      tpu.enqueue_dma source(%dma_start3A_67 : memref<640x128xf32, #tpu.memory_space<vmem_shared>>) target(%dma_start3A_65 : memref<640x128xf32, #tpu.memory_space<hbm>>) target_semaphore(%run_scoped3A_62 : memref<!tpu.dma_semaphore, #tpu.memory_space<semaphore_mem>>)
      %dma_wait3A_68 = arith.constant 0 : i32
      %dma_wait3A_69 = tpu.memref_slice %arg6[%arg0, %mul3A_61, %dma_wait3A_68] : memref<2x10240x128xf32, #tpu.memory_space<hbm>> -> memref<1x640x128xf32, #tpu.memory_space<hbm>>
      %dma_wait3A_70 = tpu.memref_squeeze %dma_wait3A_69 : memref<1x640x128xf32, #tpu.memory_space<hbm>> -> memref<640x128xf32, #tpu.memory_space<hbm>>
      %dma_wait3A_71 = arith.constant 0 : i32
      %dma_wait3A_72 = tpu.memref_slice %arg11[%mul3A_59, %dma_wait3A_71] : memref<10240x128xf32, #tpu.memory_space<vmem_shared>> -> memref<640x128xf32, #tpu.memory_space<vmem_shared>>
      tpu.wait_dma2 semaphore(%run_scoped3A_62 : memref<!tpu.dma_semaphore, #tpu.memory_space<semaphore_mem>>) src(%dma_wait3A_72 : memref<640x128xf32, #tpu.memory_space<vmem_shared>>) dst(%dma_wait3A_70 : memref<640x128xf32, #tpu.memory_space<hbm>>)
      tpu.yield
    }) : () -> ()
    return
  }
}

module attributes {stable_mosaic.version = 14 : i64} {
  func.func @_tc_prep_body(%arg0: memref<10000x128xf32, #tpu.memory_space<vmem>>, %arg1: memref<128x128xf32, #tpu.memory_space<vmem>>, %arg2: memref<128xf32, #tpu.memory_space<vmem>>, %arg3: memref<2x10240xf32, #tpu.memory_space<vmem>>, %arg4: memref<10000x128xf32, #tpu.memory_space<vmem>>, %arg5: memref<10000x1xf32, #tpu.memory_space<vmem>>) attributes {dimension_semantics = [], scalar_prefetch = 0 : i64, scratch_operands = 0 : i64, tpu.core_type = #tpu.core_type<tc>} {
    %get3A = arith.constant 0 : index
    %get3A_0 = arith.constant 0 : index
    %get3A_1 = vector.load %arg0[%get3A, %get3A_0] : memref<10000x128xf32, #tpu.memory_space<vmem>>, vector<10000x128xf32>
    %get3A_2 = arith.constant 0 : index
    %get3A_3 = arith.constant 0 : index
    %get3A_4 = vector.load %arg1[%get3A_2, %get3A_3] : memref<128x128xf32, #tpu.memory_space<vmem>>, vector<128x128xf32>
    %dot_general3A = arith.constant dense<0.000000e+00> : vector<10000x128xf32>
    %dot_general3A_5 = tpu.matmul %get3A_1, %get3A_4, %dot_general3A {dimension_numbers = #tpu.dot_dimension_numbers<[1], [0], [0], [1], [0, 0, 1, 1], [], []>, transpose_lhs_hint = false} : vector<10000x128xf32>, vector<128x128xf32>, vector<10000x128xf32> -> vector<10000x128xf32>
    %get3A_6 = arith.constant 0 : index
    %get3A_7 = vector.load %arg2[%get3A_6] : memref<128xf32, #tpu.memory_space<vmem>>, vector<128xf32>
    %broadcast_in_dim3A = vector.shape_cast %get3A_7 : vector<128xf32> to vector<1x128xf32>
    %add3A = vector.broadcast %broadcast_in_dim3A : vector<1x128xf32> to vector<10000x128xf32>
    %add3A_8 = arith.addf %dot_general3A_5, %add3A : vector<10000x128xf32>
    %mul3A = arith.mulf %add3A_8, %add3A_8 : vector<10000x128xf32>
    %reduce_sum3A = arith.constant dense<0.000000e+00> : vector<10000xf32>
    %reduce_sum3A_9 = vector.multi_reduction <add>, %mul3A, %reduce_sum3A [1] : vector<10000x128xf32> to vector<10000xf32>
    %broadcast_in_dim3A_10 = vector.shape_cast %reduce_sum3A_9 : vector<10000xf32> to vector<10000x1xf32>
    %sqrt3A = math.sqrt %broadcast_in_dim3A_10 : vector<10000x1xf32>
    %max3A = arith.constant 9.99999996E-13 : f32
    %max3A_11 = vector.broadcast %max3A : f32 to vector<10000x1xf32>
    %max3A_12 = arith.maximumf %sqrt3A, %max3A_11 : vector<10000x1xf32>
    %div3A = vector.broadcast %max3A_12 : vector<10000x1xf32> to vector<10000x128xf32>
    %div3A_13 = arith.divf %add3A_8, %div3A : vector<10000x128xf32>
    %mul3A_14 = arith.constant 1.800000e+00 : f32
    %mul3A_15 = vector.broadcast %mul3A_14 : f32 to vector<10000x128xf32>
    %mul3A_16 = arith.mulf %div3A_13, %mul3A_15 : vector<10000x128xf32>
    %get3A_17 = arith.constant 0 : index
    %get3A_18 = arith.constant 0 : index
    %get3A_19 = vector.load %arg3[%get3A_17, %get3A_18] : memref<2x10240xf32, #tpu.memory_space<vmem>>, vector<1x10000xf32>
    %get3A_20 = vector.shape_cast %get3A_19 : vector<1x10000xf32> to vector<10000xf32>
    %get3A_21 = arith.constant 1 : index
    %get3A_22 = arith.constant 0 : index
    %get3A_23 = vector.load %arg3[%get3A_21, %get3A_22] : memref<2x10240xf32, #tpu.memory_space<vmem>>, vector<1x10000xf32>
    %get3A_24 = vector.shape_cast %get3A_23 : vector<1x10000xf32> to vector<10000xf32>
    %add3A_25 = arith.addf %get3A_20, %get3A_24 : vector<10000xf32>
    %add3A_26 = arith.constant 1.000000e+00 : f32
    %add3A_27 = vector.broadcast %add3A_26 : f32 to vector<10000xf32>
    %add3A_28 = arith.addf %add3A_25, %add3A_27 : vector<10000xf32>
    %rsqrt3A = math.rsqrt %add3A_28 : vector<10000xf32>
    %broadcast_in_dim3A_29 = vector.shape_cast %rsqrt3A : vector<10000xf32> to vector<10000x1xf32>
    %swap3A = arith.constant 0 : index
    %swap3A_30 = arith.constant 0 : index
    %swap3A_31 = vector.load %arg5[%swap3A, %swap3A_30] : memref<10000x1xf32, #tpu.memory_space<vmem>>, vector<10000x1xf32>
    tpu.vector_store %arg5[%swap3A, %swap3A_30], %broadcast_in_dim3A_29 {strides = array<i32>} : memref<10000x1xf32, #tpu.memory_space<vmem>>, vector<10000x1xf32>,
    %broadcast_in_dim3A_32 = vector.shape_cast %rsqrt3A : vector<10000xf32> to vector<10000x1xf32>
    %mul3A_33 = vector.broadcast %broadcast_in_dim3A_32 : vector<10000x1xf32> to vector<10000x128xf32>
    %mul3A_34 = arith.mulf %mul3A_16, %mul3A_33 : vector<10000x128xf32>
    %swap3A_35 = arith.constant 0 : index
    %swap3A_36 = arith.constant 0 : index
    %swap3A_37 = vector.load %arg4[%swap3A_35, %swap3A_36] : memref<10000x128xf32, #tpu.memory_space<vmem>>, vector<10000x128xf32>
    tpu.vector_store %arg4[%swap3A_35, %swap3A_36], %mul3A_34 {strides = array<i32>} : memref<10000x128xf32, #tpu.memory_space<vmem>>, vector<10000x128xf32>,
    return
  }
}

module attributes {stable_mosaic.version = 14 : i64} {
  func.func @_tc_final_body(%arg0: memref<2x10240x128xf32, #tpu.memory_space<vmem>>, %arg1: memref<10000x128xf32, #tpu.memory_space<vmem>>, %arg2: memref<10000x1xf32, #tpu.memory_space<vmem>>, %arg3: memref<10000x128xf32, #tpu.memory_space<vmem>>) attributes {dimension_semantics = [], scalar_prefetch = 0 : i64, scratch_operands = 0 : i64, tpu.core_type = #tpu.core_type<tc>} {
    %get3A = arith.constant 0 : index
    %get3A_0 = arith.constant 0 : index
    %get3A_1 = arith.constant 0 : index
    %get3A_2 = vector.load %arg0[%get3A, %get3A_0, %get3A_1] : memref<2x10240x128xf32, #tpu.memory_space<vmem>>, vector<1x10000x128xf32>
    %get3A_3 = vector.shape_cast %get3A_2 : vector<1x10000x128xf32> to vector<10000x128xf32>
    %get3A_4 = arith.constant 1 : index
    %get3A_5 = arith.constant 0 : index
    %get3A_6 = arith.constant 0 : index
    %get3A_7 = vector.load %arg0[%get3A_4, %get3A_5, %get3A_6] : memref<2x10240x128xf32, #tpu.memory_space<vmem>>, vector<1x10000x128xf32>
    %get3A_8 = vector.shape_cast %get3A_7 : vector<1x10000x128xf32> to vector<10000x128xf32>
    %add3A = arith.addf %get3A_3, %get3A_8 : vector<10000x128xf32>
    %get3A_9 = arith.constant 0 : index
    %get3A_10 = arith.constant 0 : index
    %get3A_11 = vector.load %arg1[%get3A_9, %get3A_10] : memref<10000x128xf32, #tpu.memory_space<vmem>>, vector<10000x128xf32>
    %add3A_12 = arith.addf %add3A, %get3A_11 : vector<10000x128xf32>
    %get3A_13 = arith.constant 0 : index
    %get3A_14 = arith.constant 0 : index
    %get3A_15 = vector.load %arg2[%get3A_13, %get3A_14] : memref<10000x1xf32, #tpu.memory_space<vmem>>, vector<10000x1xf32>
    %mul3A = vector.broadcast %get3A_15 : vector<10000x1xf32> to vector<10000x128xf32>
    %mul3A_16 = arith.mulf %add3A_12, %mul3A : vector<10000x128xf32>
    %swap3A = arith.constant 0 : index
    %swap3A_17 = arith.constant 0 : index
    %swap3A_18 = vector.load %arg3[%swap3A, %swap3A_17] : memref<10000x128xf32, #tpu.memory_space<vmem>>, vector<10000x128xf32>
    tpu.vector_store %arg3[%swap3A, %swap3A_17], %mul3A_16 {strides = array<i32>} : memref<10000x128xf32, #tpu.memory_space<vmem>>, vector<10000x128xf32>,
    return
  }
}

</mosaic_0001>

<sc_bundles>
// kernel: kernel.6.cloned.1.call-start
scs
__scs_entry_jumppad:
0x0: {  	(pc) =	sbr.rel $0x88, $3  }
0x1: {  	(tag) =	ssettag $0x0;
	lr =	simm.s32 $0x1  }
0x2: {  	[smem:$0x3F9D] =	sst lr;
	_ =	strace $0xD0000000  }
0x3: {  	_ = 	snop  }
0x4: {  	_ = 	snop  }
0x5: {  	_ = 	snop  }
0x6: {  	_ = 	snop  }
0x7: {  	_ = 	snop  }
__scs_overlays_trampoline_lowered:
0x8: {  	[smem:$0x3FAC] =	sst s0  }
0x9: {  	[smem:$0x3FAD] =	sst s1  }
0xa: {  	[smem:$0x3FAE] =	sst s2  }
0xb: {  	[smem:$0x3FAF] =	sst s3  }
0xc: {  	[smem:$0x3FB0] =	sst s4  }
0xd: {  	[smem:$0x3FB1] =	sst s5  }
0xe: {  	[smem:$0x3FB2] =	sst s6  }
0xf: {  	[smem:$0x3FB3] =	sst s7  }
0x10: {  	[smem:$0x3FB4] =	sst s8  }
0x11: {  	[smem:$0x3FB5] =	sst s9;
	s0 =	simm.s32 @!p0 $0x0  }
0x12: {  	s1 =	sld [smem:$0x3F9B];
	s0 =	simm.s32 @p0 $0x1  }
0x13: {  	[smem:$0x3FB6] =	sst s0;
	s0 =	simm.s32 @!p1 $0x0  }
0x14: {  	s2 =	sld [smem:$0x3F9A];
	s0 =	simm.s32 @p1 $0x1  }
0x15: {  	[smem:$0x3FB7] =	sst s0;
	s0 =	simm.s32 @!p2 $0x0  }
0x16: {  	s3 =	sld [smem:$0x3FDB];
	s0 =	simm.s32 @p2 $0x1  }
0x17: {  	s4 =	simm.s32 $0x1BF5;
	[smem:$0x3FB9] =	sst s0  }
0x18: {  	s0 =	sld [smem:$0x3F9C];
	_ =	swait.ge [sflag:s4], $0x0  }
0x19: {  	s7 =	sld [smem:$0x3F9D]  }
0x1a: {  	s8 =	sadd.s32 $0xFFFFE003, lr  }
0x1b: {  	s9 =	sadd.s32 $0xFFFFFEF7, lr;
	s5 =	simm.s32 $0xFFFFFFFF;
	p2 =	slt.u32 s8, $0xFFFFF086  }
0x1c: {  	p1 =	slt.u32 s9, $0xF7A;
	s5 =	simm.s32 @!p2 $0x0  }
0x1d: {  	s5 =	simm.s32 @p1 $0x1;
	p0 =	seq.s32 s7, s2  }
0x1e: {  	s7 =	smul.u32 @!p0 $0xF7A, s2;
	p2 =	seq.s32 @!p0 s5, $0x0  }
0x1f: {  	s9 =	smul.u32 $0xF7A, s1;
	s8 =	simm.s32 @!p0 $0x1BF5;
	p2 =	por !p2, p0  }
0x20: {  	[sflag:s8] =	ssyncset.s32 @!p0 $0xFFFFF086;
	s6 =	sadd.s32 @!p0 s3, s7;
	s7 =	simm.s32 @!p0 $0x108  }
0x21: {  	s3 =	sadd.s32 s3, s9;
	s6 =	sadd.s32 @!p0 $0x88, s6;
	s7 =	simm.s32 @p2 $0x1082  }
0x22: {  	[simem:s7], [sflag:s8] =	dma.local @!p0 [hbm:s6], $0xF7A  }
0x23: {  	s9 =	sor.u32 $0xD0000000, s2;
	s6 =	simm.s32 $0x108;
	_ =	swait.ge @!p0 [sflag:s8], $0x0  }
0x24: {  	s3 =	sadd.s32 $0x88, s3;
	s6 =	simm.s32 @!p1 $0x1082;
	[sflag:s4] =	ssyncset.s32 $0xFFFFF086  }
0x25: {  	[simem:s6], [sflag:s4] =	dma.local [hbm:s3], $0xF7A  }
0x26: {  	[smem:$0x3F9D] =	sst s1;
	(tag) =	ssettag s2;
	_ =	strace s9  }
0x27: {  	s1 =	sld [smem:$0x3FAD]  }
0x28: {  	s2 =	sld [smem:$0x3FAE]  }
0x29: {  	s4 =	sld [smem:$0x3FB0]  }
0x2a: {  	p0 =	seq.s32 s5, $0x0;
	s5 =	sld [smem:$0x3FB1]  }
0x2b: {  	s6 =	sld [smem:$0x3FB2]  }
0x2c: {  	s7 =	sld [smem:$0x3FB3]  }
0x2d: {  	s3 =	simm.s32 $0x108;
	s8 =	sld [smem:$0x3FB4]  }
0x2e: {  	s3 =	simm.s32 @!p0 $0x1082;
	s9 =	sld [smem:$0x3FB5]  }
0x2f: {  	lr =	sadd.s32 s0, s3;
	s0 =	sld [smem:$0x3FAC]  }
0x30: {  	s3 =	sld [smem:$0x3FAF]  }
0x31: {  	[smem:$0x3FB8] =	sst s10  }
0x32: {  	s10 =	sld [smem:$0x3FB6];
	_ =	sdelay $0x3  }
0x33: {  	p0 =	seq.s32 s10, $0x1;
	s10 =	sld [smem:$0x3FB8];
	_ =	sdelay $0x3  }
0x34: {  	[smem:$0x3FB8] =	sst s10  }
0x35: {  	s10 =	sld [smem:$0x3FB7];
	_ =	sdelay $0x3  }
0x36: {  	p1 =	seq.s32 s10, $0x1;
	s10 =	sld [smem:$0x3FB8];
	_ =	sdelay $0x3  }
0x37: {  	[smem:$0x3FB8] =	sst s10  }
0x38: {  	s10 =	sld [smem:$0x3FB9]  }
0x39: {  	_ = 	snop;
	(pc) =	sbr.ind lr, $3  }
0x3a: {  	_ = 	snop  }
0x3b: {  	_ = 	snop  }
0x3c: {  	p2 =	seq.s32 s10, $0x1;
	s10 =	sld [smem:$0x3FB8]  }
0x3d: {  	_ =	shalt  }
0x3e: {  	_ =	shalt  }
0x3f: {  	_ =	shalt  }
0x40: {  	_ =	shalt  }
0x41: {  	_ =	shalt  }
0x42: {  	_ =	shalt  }
0x43: {  	_ =	shalt  }
0x44: {  	_ =	shalt  }
0x45: {  	_ =	shalt  }
0x46: {  	_ =	shalt  }
0x47: {  	_ =	shalt  }
0x48: {  	_ =	shalt  }
0x49: {  	_ =	shalt  }
0x4a: {  	_ =	shalt  }
0x4b: {  	_ =	shalt  }
0x4c: {  	_ =	shalt  }
0x4d: {  	_ =	shalt  }
0x4e: {  	_ =	shalt  }
0x4f: {  	_ =	shalt  }
0x50: {  	_ =	shalt  }
0x51: {  	_ =	shalt  }
0x52: {  	_ =	shalt  }
0x53: {  	_ =	shalt  }
0x54: {  	_ =	shalt  }
0x55: {  	_ =	shalt  }
0x56: {  	_ =	shalt  }
0x57: {  	_ =	shalt  }
0x58: {  	_ =	shalt  }
0x59: {  	_ =	shalt  }
0x5a: {  	_ =	shalt  }
0x5b: {  	_ =	shalt  }
0x5c: {  	_ =	shalt  }
0x5d: {  	_ =	shalt  }
0x5e: {  	_ =	shalt  }
0x5f: {  	_ =	shalt  }
0x60: {  	_ =	shalt  }
0x61: {  	_ =	shalt  }
0x62: {  	_ =	shalt  }
0x63: {  	_ =	shalt  }
0x64: {  	_ =	shalt  }
0x65: {  	_ =	shalt  }
0x66: {  	_ =	shalt  }
0x67: {  	_ =	shalt  }
0x68: {  	_ =	shalt  }
0x69: {  	_ =	shalt  }
0x6a: {  	_ =	shalt  }
0x6b: {  	_ =	shalt  }
0x6c: {  	_ =	shalt  }
0x6d: {  	_ =	shalt  }
0x6e: {  	_ =	shalt  }
0x6f: {  	_ =	shalt  }
0x70: {  	_ =	shalt  }
0x71: {  	_ =	shalt  }
0x72: {  	_ =	shalt  }
0x73: {  	_ =	shalt  }
0x74: {  	_ =	shalt  }
0x75: {  	_ =	shalt  }
0x76: {  	_ =	shalt  }
0x77: {  	_ =	shalt  }
0x78: {  	_ =	shalt  }
0x79: {  	_ =	shalt  }
0x7a: {  	_ =	shalt  }
0x7b: {  	_ =	shalt  }
0x7c: {  	_ =	shalt  }
0x7d: {  	_ =	shalt  }
0x7e: {  	_ =	shalt  }
0x7f: {  	_ =	shalt  }
0x80: {  	_ =	shalt  }
0x81: {  	_ =	shalt  }
0x82: {  	_ =	shalt  }
0x83: {  	_ =	shalt  }
0x84: {  	_ =	shalt  }
0x85: {  	_ =	shalt  }
0x86: {  	_ =	shalt  }
0x87: {  	_ =	shalt  }
.Lfunc_end0:
.L_simem_size_0:
called_computation_lowered:
.L_overlay_start_0:
0x88: {  	s2 =	sld [smem:$0x3FD9]  }
0x89: {  	s3 =	sld [smem:$0x3FFE];
	_ =	sdelay $0x1  }
0x8a: {  	s1 =	srdreg.scid  }
0x8b: {  	s0 =	sand.u32 $0x1, s1  }
0x8c: {  	s17 =	sshll.u32 s0, $0xA;
	s2 =	sadd.s32 s3, s2  }
0x8d: {  	s2 =	sadd.s32 s2, s17  }
0x8e: {  	[smem:$0x3FC4] =	sst s2  }
0x8f: {  	_ = 	snop  }
0x90: {  	s2 =	sld [smem:$0x3FD0];
	(tm) =	ssettm $0x1  }
0x91: {  	s18 =	sld [smem:$0x3FFB];
	_ =	sdelay $0x3  }
0x92: {  	_ =	strace s18  }
0x93: {  	s3 =	sld [smem:$0x3FFC];
	_ =	sdelay $0x3  }
0x94: {  	_ =	strace s3  }
0x95: {  	s3 =	sld [smem:$0x3FFD];
	_ =	sdelay $0x3  }
0x96: {  	_ =	strace s3  }
0x97: {  	_ =	strace $0x8FFFFFFF  }
0x98: {  	s19 =	sld [smem:$0x3FDB];
	_ =	sdelay $0x1  }
0x99: {  	s4 =	simm.s32 $_scs_section_size  }
0x9a: {  	s5 =	simm.s32 $_size__tile_overlayer_lowered;
	s6 =	simm.s32 $_tile_overlayer_lowered  }
0x9b: {  	s22 =	simm.s32 $0x1BFF;
	s21 =	sshll.u32 s6, $0x1;
	s3 =	sadd.s32 s4, s19  }
0x9c: {  	s7 =	simm.s32 $0x0;
	s20 =	sshll.u32 s5, $0x1;
	s5 =	sadd.s32 s21, s3  }
0x9d: {  	[timem:s7], [sflag:s22] =	dma.local [hbm:s5], s20  }
0x9e: {  	_ =	swait.ge [sflag:s22], s20  }
0x9f: {  	s4 =	ssub.s32 $0x0, s20;
	[sflag:s22] =	ssyncset.done $0x0  }
0xa0: {  	[sflag:s22] =	ssyncadd.s32 s4;
	_ =	sdelay $0x1  }
0xa1: {  	s23 =	simm.s32 $0x1B8B  }
0xa2: {  	_ =	swait.ge [sflag:s23], $0x1  }
0xa3: {  	[sflag:s23] =	ssyncset.done $0x0  }
0xa4: {  	s25 =	simm.s32 $0x1B8E;
	s24 =	sld [smem:$0x3FFE];
	[sflag:s23] =	ssyncadd.s32 $0xFFFFFFFF  }
0xa5: {  	s26 =	simm.s32 $execute0_lowered;
	[smem:$0x3FD2] =	sst s25  }
0xa6: {  	s5 =	sshll.u32 s26, $0x1;
	_ =	strace $0x80000046;
	[dreg:$0x1] =	wrdreg $0xFFFFFFFF  }
0xa7: {  	s28 =	simm.s32 $_size_execute0_lowered;
	s3 =	sadd.s32 s3, s5;
	[dreg:$0x0] =	wrdreg $0x0  }
0xa8: {  	s5 =	sshll.u32 s28, $0x1;
	[dreg:$0x2] =	wrdreg s3  }
0xa9: {  	[dreg:$0x3] =	wrdreg s5  }
0xaa: {  	[dreg:$0x4] =	wrdreg $0xC0  }
0xab: {  	_ =	task [dreg:s7], $0x5FFFF  }
0xac: {  	[dreg:$0x1] =	wrdreg $0xFFFFFFFF  }
0xad: {  	[dreg:$0x0] =	wrdreg $0x60  }
0xae: {  	[dreg:$0x2] =	wrdreg s24  }
0xaf: {  	[dreg:$0x3] =	wrdreg s2  }
0xb0: {  	[dreg:$0x4] =	wrdreg $0x43000  }
0xb1: {  	[dreg:$0x5] =	wrdreg $0x9  }
0xb2: {  	_ =	task.clear_ibuf [dreg:s7], $0x6FFFF;
	_ =	strace $0x90000046  }
0xb3: {  	s29 =	simm.s32 $0x9;
	_ =	strace $0x80000048  }
0xb4: {  	_ =	swait.ge [sflag:s29], $0x1  }
0xb5: {  	[sflag:s29] =	ssyncadd.s32 $0xFFFFFFFF  }
0xb6: {  	_ =	strace $0x90000048  }
0xb7: {  	_ =	sfence  }
0xb8: {  	s30 =	sld [smem:$0x0];
	_ =	sdelay $0x2  }
0xb9: {  	s31 =	sshll.u32 s1, $0xD;
	s1 =	sshrl.u32 s1, $0x2  }
0xba: {  	s3 =	sand.u32 $0x4000, s31;
	s1 =	sadd.s32 s1, s30  }
0xbb: {  	s0 =	sor.u32 s3, s0;
	s1 =	sshll.u32 s1, $0x11  }
0xbc: {  	s0 =	sor.u32 s1, s0  }
0xbd: {  	s0 =	sadd.s32 $0x8F2B, s0  }
0xbe: {  	[sflag:s0] =	ssyncadd.remote.s32 $0x1  }
0xbf: {  	_ =	sfence.sel $0xFFFF  }
0xc0: {  	[dreg:$0x0] =	wrdreg $0xFFFFFFFF;
	(pc) =	sbr.abs _section_cstart, $3  }
0xc1: {  	[dreg:$0x1] =	wrdreg $0xFFFFFFFF  }
0xc2: {  	_ =	task.clear_ibuf [dreg:s7], $0x2FFFF;
	_ =	strace $0x9FFFFFFF  }
0xc3: {  	(tm) =	ssettm $0x7FFFFFFF  }
tec
execute0_lowered:
.L_overlay_start_1:
0x0: {  	(tag) =	ssettag $0x1  }
0x1: {  	s4 =	rddreg [dreg:$0x0]  }
0x2: {  	s7 =	rddreg [dreg:$0x1]  }
0x3: {  	s2 =	rddreg [dreg:$0x2]  }
0x4: {  	s0 =	rddreg [dreg:$0x3];
	s3 =	simm.s32 $0x0;
	s1 =	stileid.u32  }
0x5: {  	s6 =	srdreg.scid;
	s13 =	simm.s32 $0x1;
	s16 =	simm.s32 $0x20  }
0x6: {  	s17 =	simm.s32 $0x10;
	s18 =	simm.s32 $0x0;
	[smem:$0x7FF] =	sst s3  }
0x7: {  	s5 =	sshll.u32 s1, $0xB;
	s6 =	sand.u32 $0x1, s6;
	s9 =	smul.u32 $0x500, s1  }
0x8: {  	s11 =	smul.u32 $0xA00, s1;
	s14 =	sshll.u32 s1, $0x6;
	_ =	strace $0x80000047  }
0x9: {  	s5 =	sadd.s32 s5, s4;
	s4 =	sadd.s32 $0x21C00, s4;
	s8 =	ssub.s32 $0x2, s6  }
0xa: {  	s12 =	sshll.u32 s6, $0x7;
	s6 =	sshll.u32 s6, $0xF;
	s14 =	sor.u32 $0x1C02, s14  }
0xb: {  	s10 =	sshrl.u32 s8, $0x1;
	s9 =	sor.u32 s12, s9;
	s31 =	sshrl.u32 s11, $0x2  }
0xc: {  	s6 =	sadd.s32 s6, s5;
	s11 =	simm.s32 $0x4080;
	s12 =	simm.s32 $0x50  }
0xd: {  	s8 =	ssub.s32 s8, s10;
	s9 =	sshrl.u32 s9, $0x3;
	s5 =	sadd.s32 s31, s2  }
0xe: {  	s6 =	sadd.s32 $0x11C00, s6;
	s10 =	simm.s32 $0x2;
	s7 =	sadd.s32 s7, s9  }
0xf: {  	v0 =	vimm.f32 $0.0e+00;
	s8 =	smax.u32 s8, $0x1;
	s9 =	simm.s32 $0x4000;
	s15 =	sshrl.u32 s5, $0x3  }
.LBB2_1:
0x10: {  	[tilespmem:s9], [sflag:$0x2] =	stream.linear.gather [hbm4b:s4+s3], $0x80, $0x38;
	[tilespmem:$0x4580] =	vst v63  }
0x11: {  	_ =	swait.ge [sflag:s10], $0x80  }
0x12: {  	[sflag:s10] =	ssyncset.done $0x0  }
0x13: {  	[sflag:s10] =	ssyncadd.s32 $0xFFFFFF80  }
0x14: {  	[tilespmem:$0x4080] =	vst v0  }
0x15: {  	[tilespmem:$0x4090] =	vst v0  }
0x16: {  	[tilespmem:$0x40A0] =	vst v0  }
0x17: {  	[tilespmem:$0x40B0] =	vst v0  }
0x18: {  	[tilespmem:$0x40C0] =	vst v0  }
0x19: {  	[tilespmem:$0x40D0] =	vst v0  }
0x1a: {  	[tilespmem:$0x40E0] =	vst v0  }
0x1b: {  	[tilespmem:$0x40F0] =	vst v0  }
0x1c: {  	[tilespmem:$0x4100] =	vst v0  }
0x1d: {  	[tilespmem:$0x4110] =	vst v0  }
0x1e: {  	[tilespmem:$0x4120] =	vst v0  }
0x1f: {  	[tilespmem:$0x4130] =	vst v0  }
0x20: {  	[tilespmem:$0x4140] =	vst v0  }
0x21: {  	[tilespmem:$0x4150] =	vst v0  }
0x22: {  	[tilespmem:$0x4160] =	vst v0  }
0x23: {  	[tilespmem:$0x4170] =	vst v0  }
0x24: {  	[tilespmem:$0x4180] =	vst v0  }
0x25: {  	[tilespmem:$0x4190] =	vst v0  }
0x26: {  	[tilespmem:$0x41A0] =	vst v0  }
0x27: {  	[tilespmem:$0x41B0] =	vst v0  }
0x28: {  	[tilespmem:$0x41C0] =	vst v0  }
0x29: {  	[tilespmem:$0x41D0] =	vst v0  }
0x2a: {  	[tilespmem:$0x41E0] =	vst v0  }
0x2b: {  	[tilespmem:$0x41F0] =	vst v0  }
0x2c: {  	[tilespmem:$0x4200] =	vst v0  }
0x2d: {  	[tilespmem:$0x4210] =	vst v0  }
0x2e: {  	[tilespmem:$0x4220] =	vst v0  }
0x2f: {  	[tilespmem:$0x4230] =	vst v0  }
0x30: {  	[tilespmem:$0x4240] =	vst v0  }
0x31: {  	[tilespmem:$0x4250] =	vst v0  }
0x32: {  	[tilespmem:$0x4260] =	vst v0  }
0x33: {  	[tilespmem:$0x4270] =	vst v0  }
0x34: {  	[tilespmem:$0x4280] =	vst v0  }
0x35: {  	[tilespmem:$0x4290] =	vst v0  }
0x36: {  	[tilespmem:$0x42A0] =	vst v0  }
0x37: {  	[tilespmem:$0x42B0] =	vst v0  }
0x38: {  	[tilespmem:$0x42C0] =	vst v0  }
0x39: {  	[tilespmem:$0x42D0] =	vst v0  }
0x3a: {  	[tilespmem:$0x42E0] =	vst v0  }
0x3b: {  	[tilespmem:$0x42F0] =	vst v0  }
0x3c: {  	[spmem:s5] =	stream.linear.scatter [tilespmem:s11], [sflag:$0x2], $0x280, $0x38;
	[tilespmem:$0x4580] =	vst v63  }
0x3d: {  	_ =	swait.ge [sflag:s10], $0x280  }
0x3e: {  	[sflag:s10] =	ssyncset.done $0x0  }
0x3f: {  	[sflag:s10] =	ssyncadd.s32 $0xFFFFFD80  }
0x40: {  	[tilespmem:s3], [sflag:$0x2] =	stream.linear.gather [hbm4b:s6+s3], $0x3E80, $0x38;
	[tilespmem:$0x4580] =	vst v63  }
0x41: {  	_ =	swait.ge [sflag:s10], $0x3E80  }
0x42: {  	[sflag:s10] =	ssyncset.done $0x0  }
0x43: {  	p0 =	por $0x1, $0x1;
	[sflag:s10] =	ssyncadd.s32 $0xFFFFC180  }
0x44: {  	s21 =	simm.s32 @!p0 $0x1;
	[bflag:$0x0] =	sbarrier.arrive $0xFFFF  }
0x45: {  	[spmem:s2] =	stream.indirect.scatter.add.f32 [tilespmem:s9], [sflag:$0x1], $0x1, s3, s12, $0xb8;
	[tilespmem:$0x4580] =	vst v63  }
0x46: {  	_ =	swait.ge @!p0 [sflag:s21], $0x50  }
0x47: {  	s19 =	simm.s32 $0x1;
	s20 =	simm.s32 $0x0;
	[sflag:s21] =	ssyncset.done @!p0 $0x0  }
.LBB2_2:
0x48: {  	[sflag:s21] =	ssyncadd.s32 @!p0 $0xFFFFFFB0  }
0x49: {  	s20 =	sadd.s32 $0x80, s20;
	s21 =	smov.u32 s19;
	s19 =	sadd.s32 $0x1, s19  }
0x4a: {  	p1 =	sne.s32 s19, $0x7D  }
0x4b: {  	[spmem:s2] =	stream.indirect.scatter.add.f32 [tilespmem:s9], [sflag:$0x1], $0x1, s20, s12, $0xb8;
	[tilespmem:$0x4580] =	vst v63  }
.Ltmp0:
0x4c: {  	_ = 	snop;
	(pc) =	sbr.rel @p1 .LBB2_2-.Ltmp0, $4  }
0x4d: {  	p0 =	slt.u32 s21, $0x8  }
0x4e: {  	s21 =	simm.s32 @!p0 $0x1  }
0x4f: {  	_ =	swait.ge @!p0 [sflag:s21], $0x50  }
0x50: {  	[sflag:s21] =	ssyncset.done @!p0 $0x0  }
0x51: {  	[sflag:s21] =	ssyncadd.s32 @!p0 $0xFFFFFFB0  }
0x52: {  	_ =	swait.ge [sflag:s13], $0x50  }
0x53: {  	[sflag:s13] =	ssyncset.done $0x0  }
0x54: {  	[sflag:s13] =	ssyncadd.s32 $0xFFFFFFB0  }
0x55: {  	_ =	swait.ge [sflag:s13], $0x50  }
0x56: {  	[sflag:s13] =	ssyncset.done $0x0  }
0x57: {  	[sflag:s13] =	ssyncadd.s32 $0xFFFFFFB0  }
0x58: {  	_ =	swait.ge [sflag:s13], $0x50  }
0x59: {  	[sflag:s13] =	ssyncset.done $0x0  }
0x5a: {  	[sflag:s13] =	ssyncadd.s32 $0xFFFFFFB0  }
0x5b: {  	_ =	swait.ge [sflag:s13], $0x50  }
0x5c: {  	[sflag:s13] =	ssyncset.done $0x0  }
0x5d: {  	[sflag:s13] =	ssyncadd.s32 $0xFFFFFFB0  }
0x5e: {  	_ =	swait.ge [sflag:s13], $0x50  }
0x5f: {  	[sflag:s13] =	ssyncset.done $0x0  }
0x60: {  	[sflag:s13] =	ssyncadd.s32 $0xFFFFFFB0  }
0x61: {  	_ =	swait.ge [sflag:s13], $0x50  }
0x62: {  	[sflag:s13] =	ssyncset.done $0x0  }
0x63: {  	[sflag:s13] =	ssyncadd.s32 $0xFFFFFFB0  }
0x64: {  	_ =	swait.ge [sflag:s13], $0x50  }
0x65: {  	[sflag:s13] =	ssyncset.done $0x0  }
0x66: {  	[sflag:s13] =	ssyncadd.s32 $0xFFFFFFB0  }
0x67: {  	_ =	swait.ge [sflag:s13], $0x50  }
0x68: {  	s18 =	sadd.s32 $0x1, s18;
	[sflag:s13] =	ssyncset.done $0x0  }
0x69: {  	p0 =	sne.s32 s18, s8;
	[sflag:s13] =	ssyncadd.s32 $0xFFFFFFB0  }
.Ltmp1:
0x6a: {  	[bflag:$0x0] =	sbarrier.arrive $0xFFFF;
	(pc) =	sbr.rel @p0 .LBB2_1-.Ltmp1, $4  }
0x6b: {  	[hbm:s7@s16], [sflag:s14] =	dma.strided [spmem:s15@s17], $0x50, s13, $0x10   }
0x6c: {  	_ =	swait.ge [sflag:s10], $0x50  }
0x6d: {  	[sflag:s10] =	ssyncset.done $0x0  }
0x6e: {  	[sflag:s10] =	ssyncadd.s32 $0xFFFFFFB0  }
0x6f: {  	_ =	sfence.sel $0x180000  }
0x70: {  	[bflag:$0x0] =	sbarrier.arrive $0xFFFF  }
0x71: {  	p0 =	sne.s32 s1, $0x0;
	_ =	strace $0x90000047  }
0x72: {  	s0 =	sadd.s32 @!p0 $0x100000, s0;
	[bflag:$0x2] =	sbarrier.arrive $0xFFFF  }
0x73: {  	[sflag:s0] =	ssyncadd.tile.s32 @!p0 $0x1;
	_ =	shalt  }
.Lfunc_end2:
_tile_overlayer_lowered:
.L_overlay_start_2:
0x74: {  	(tag) =	ssettag $0x2  }
0x75: {  	s0 =	rddreg [dreg:$0x0];
	s2 =	stileid.u32  }
0x76: {  	s1 =	rddreg [dreg:$0x1];
	p0 =	sne.s32 s2, $0x0  }
0x77: {  	s3 =	rddreg [dreg:$0x2];
	[bflag:$0x3] =	sbarrier.arrive $0xFFFF;
	s2 =	simm.s32 @!p0 $0x1C02  }
0x78: {  	[timem:s3], [sflag:s2] =	dma.local @!p0 [hbm:s0], s1  }
0x79: {  	s0 =	simm.s32 @!p0 $0x2  }
0x7a: {  	_ =	swait.ge @!p0 [sflag:s0], s1  }
0x7b: {  	s1 =	ssub.s32 @!p0 $0x0, s1;
	[sflag:s0] =	ssyncset.done @!p0 $0x0  }
0x7c: {  	[sflag:s0] =	ssyncadd.s32 @!p0 s1  }
0x7d: {  	[bflag:$0x3] =	sbarrier.arrive $0xFFFF  }
0x7e: {  	_ =	shalt  }

// kernel: kernel.9.cloned.1.call-start
scs
__scs_entry_jumppad:
0x0: {  	(pc) =	sbr.rel $0x88, $3  }
0x1: {  	(tag) =	ssettag $0x0;
	lr =	simm.s32 $0x1  }
0x2: {  	[smem:$0x3F9D] =	sst lr;
	_ =	strace $0xD0000000  }
0x3: {  	_ = 	snop  }
0x4: {  	_ = 	snop  }
0x5: {  	_ = 	snop  }
0x6: {  	_ = 	snop  }
0x7: {  	_ = 	snop  }
__scs_overlays_trampoline_lowered:
0x8: {  	[smem:$0x3FAC] =	sst s0  }
0x9: {  	[smem:$0x3FAD] =	sst s1  }
0xa: {  	[smem:$0x3FAE] =	sst s2  }
0xb: {  	[smem:$0x3FAF] =	sst s3  }
0xc: {  	[smem:$0x3FB0] =	sst s4  }
0xd: {  	[smem:$0x3FB1] =	sst s5  }
0xe: {  	[smem:$0x3FB2] =	sst s6  }
0xf: {  	[smem:$0x3FB3] =	sst s7  }
0x10: {  	[smem:$0x3FB4] =	sst s8  }
0x11: {  	[smem:$0x3FB5] =	sst s9;
	s0 =	simm.s32 @!p0 $0x0  }
0x12: {  	s1 =	sld [smem:$0x3F9B];
	s0 =	simm.s32 @p0 $0x1  }
0x13: {  	[smem:$0x3FB6] =	sst s0;
	s0 =	simm.s32 @!p1 $0x0  }
0x14: {  	s2 =	sld [smem:$0x3F9A];
	s0 =	simm.s32 @p1 $0x1  }
0x15: {  	[smem:$0x3FB7] =	sst s0;
	s0 =	simm.s32 @!p2 $0x0  }
0x16: {  	s3 =	sld [smem:$0x3FDB];
	s0 =	simm.s32 @p2 $0x1  }
0x17: {  	s4 =	simm.s32 $0x1BF5;
	[smem:$0x3FB9] =	sst s0  }
0x18: {  	s0 =	sld [smem:$0x3F9C];
	_ =	swait.ge [sflag:s4], $0x0  }
0x19: {  	s7 =	sld [smem:$0x3F9D]  }
0x1a: {  	s8 =	sadd.s32 $0xFFFFE003, lr  }
0x1b: {  	s9 =	sadd.s32 $0xFFFFFEF7, lr;
	s5 =	simm.s32 $0xFFFFFFFF;
	p2 =	slt.u32 s8, $0xFFFFF086  }
0x1c: {  	p1 =	slt.u32 s9, $0xF7A;
	s5 =	simm.s32 @!p2 $0x0  }
0x1d: {  	s5 =	simm.s32 @p1 $0x1;
	p0 =	seq.s32 s7, s2  }
0x1e: {  	s7 =	smul.u32 @!p0 $0xF7A, s2;
	p2 =	seq.s32 @!p0 s5, $0x0  }
0x1f: {  	s9 =	smul.u32 $0xF7A, s1;
	s8 =	simm.s32 @!p0 $0x1BF5;
	p2 =	por !p2, p0  }
0x20: {  	[sflag:s8] =	ssyncset.s32 @!p0 $0xFFFFF086;
	s6 =	sadd.s32 @!p0 s3, s7;
	s7 =	simm.s32 @!p0 $0x108  }
0x21: {  	s3 =	sadd.s32 s3, s9;
	s6 =	sadd.s32 @!p0 $0x88, s6;
	s7 =	simm.s32 @p2 $0x1082  }
0x22: {  	[simem:s7], [sflag:s8] =	dma.local @!p0 [hbm:s6], $0xF7A  }
0x23: {  	s9 =	sor.u32 $0xD0000000, s2;
	s6 =	simm.s32 $0x108;
	_ =	swait.ge @!p0 [sflag:s8], $0x0  }
0x24: {  	s3 =	sadd.s32 $0x88, s3;
	s6 =	simm.s32 @!p1 $0x1082;
	[sflag:s4] =	ssyncset.s32 $0xFFFFF086  }
0x25: {  	[simem:s6], [sflag:s4] =	dma.local [hbm:s3], $0xF7A  }
0x26: {  	[smem:$0x3F9D] =	sst s1;
	(tag) =	ssettag s2;
	_ =	strace s9  }
0x27: {  	s1 =	sld [smem:$0x3FAD]  }
0x28: {  	s2 =	sld [smem:$0x3FAE]  }
0x29: {  	s4 =	sld [smem:$0x3FB0]  }
0x2a: {  	p0 =	seq.s32 s5, $0x0;
	s5 =	sld [smem:$0x3FB1]  }
0x2b: {  	s6 =	sld [smem:$0x3FB2]  }
0x2c: {  	s7 =	sld [smem:$0x3FB3]  }
0x2d: {  	s3 =	simm.s32 $0x108;
	s8 =	sld [smem:$0x3FB4]  }
0x2e: {  	s3 =	simm.s32 @!p0 $0x1082;
	s9 =	sld [smem:$0x3FB5]  }
0x2f: {  	lr =	sadd.s32 s0, s3;
	s0 =	sld [smem:$0x3FAC]  }
0x30: {  	s3 =	sld [smem:$0x3FAF]  }
0x31: {  	[smem:$0x3FB8] =	sst s10  }
0x32: {  	s10 =	sld [smem:$0x3FB6];
	_ =	sdelay $0x3  }
0x33: {  	p0 =	seq.s32 s10, $0x1;
	s10 =	sld [smem:$0x3FB8];
	_ =	sdelay $0x3  }
0x34: {  	[smem:$0x3FB8] =	sst s10  }
0x35: {  	s10 =	sld [smem:$0x3FB7];
	_ =	sdelay $0x3  }
0x36: {  	p1 =	seq.s32 s10, $0x1;
	s10 =	sld [smem:$0x3FB8];
	_ =	sdelay $0x3  }
0x37: {  	[smem:$0x3FB8] =	sst s10  }
0x38: {  	s10 =	sld [smem:$0x3FB9]  }
0x39: {  	_ = 	snop;
	(pc) =	sbr.ind lr, $3  }
0x3a: {  	_ = 	snop  }
0x3b: {  	_ = 	snop  }
0x3c: {  	p2 =	seq.s32 s10, $0x1;
	s10 =	sld [smem:$0x3FB8]  }
0x3d: {  	_ =	shalt  }
0x3e: {  	_ =	shalt  }
0x3f: {  	_ =	shalt  }
0x40: {  	_ =	shalt  }
0x41: {  	_ =	shalt  }
0x42: {  	_ =	shalt  }
0x43: {  	_ =	shalt  }
0x44: {  	_ =	shalt  }
0x45: {  	_ =	shalt  }
0x46: {  	_ =	shalt  }
0x47: {  	_ =	shalt  }
0x48: {  	_ =	shalt  }
0x49: {  	_ =	shalt  }
0x4a: {  	_ =	shalt  }
0x4b: {  	_ =	shalt  }
0x4c: {  	_ =	shalt  }
0x4d: {  	_ =	shalt  }
0x4e: {  	_ =	shalt  }
0x4f: {  	_ =	shalt  }
0x50: {  	_ =	shalt  }
0x51: {  	_ =	shalt  }
0x52: {  	_ =	shalt  }
0x53: {  	_ =	shalt  }
0x54: {  	_ =	shalt  }
0x55: {  	_ =	shalt  }
0x56: {  	_ =	shalt  }
0x57: {  	_ =	shalt  }
0x58: {  	_ =	shalt  }
0x59: {  	_ =	shalt  }
0x5a: {  	_ =	shalt  }
0x5b: {  	_ =	shalt  }
0x5c: {  	_ =	shalt  }
0x5d: {  	_ =	shalt  }
0x5e: {  	_ =	shalt  }
0x5f: {  	_ =	shalt  }
0x60: {  	_ =	shalt  }
0x61: {  	_ =	shalt  }
0x62: {  	_ =	shalt  }
0x63: {  	_ =	shalt  }
0x64: {  	_ =	shalt  }
0x65: {  	_ =	shalt  }
0x66: {  	_ =	shalt  }
0x67: {  	_ =	shalt  }
0x68: {  	_ =	shalt  }
0x69: {  	_ =	shalt  }
0x6a: {  	_ =	shalt  }
0x6b: {  	_ =	shalt  }
0x6c: {  	_ =	shalt  }
0x6d: {  	_ =	shalt  }
0x6e: {  	_ =	shalt  }
0x6f: {  	_ =	shalt  }
0x70: {  	_ =	shalt  }
0x71: {  	_ =	shalt  }
0x72: {  	_ =	shalt  }
0x73: {  	_ =	shalt  }
0x74: {  	_ =	shalt  }
0x75: {  	_ =	shalt  }
0x76: {  	_ =	shalt  }
0x77: {  	_ =	shalt  }
0x78: {  	_ =	shalt  }
0x79: {  	_ =	shalt  }
0x7a: {  	_ =	shalt  }
0x7b: {  	_ =	shalt  }
0x7c: {  	_ =	shalt  }
0x7d: {  	_ =	shalt  }
0x7e: {  	_ =	shalt  }
0x7f: {  	_ =	shalt  }
0x80: {  	_ =	shalt  }
0x81: {  	_ =	shalt  }
0x82: {  	_ =	shalt  }
0x83: {  	_ =	shalt  }
0x84: {  	_ =	shalt  }
0x85: {  	_ =	shalt  }
0x86: {  	_ =	shalt  }
0x87: {  	_ =	shalt  }
.Lfunc_end0:
.L_simem_size_0:
called_computation.1_lowered:
.L_overlay_start_0:
0x88: {  	s2 =	sld [smem:$0x3FD9]  }
0x89: {  	s3 =	sld [smem:$0x3FFE];
	_ =	sdelay $0x1  }
0x8a: {  	s1 =	srdreg.scid  }
0x8b: {  	s0 =	sand.u32 $0x1, s1  }
0x8c: {  	s17 =	sshll.u32 s0, $0xA;
	s2 =	sadd.s32 s3, s2  }
0x8d: {  	s2 =	sadd.s32 s2, s17  }
0x8e: {  	[smem:$0x3FC4] =	sst s2  }
0x8f: {  	_ = 	snop  }
0x90: {  	s2 =	sld [smem:$0x3FD0];
	(tm) =	ssettm $0x1  }
0x91: {  	s18 =	sld [smem:$0x3FFB];
	_ =	sdelay $0x3  }
0x92: {  	_ =	strace s18  }
0x93: {  	s3 =	sld [smem:$0x3FFC];
	_ =	sdelay $0x3  }
0x94: {  	_ =	strace s3  }
0x95: {  	s3 =	sld [smem:$0x3FFD];
	_ =	sdelay $0x3  }
0x96: {  	_ =	strace s3  }
0x97: {  	_ =	strace $0x8FFFFFFF  }
0x98: {  	s19 =	sld [smem:$0x3FDB];
	_ =	sdelay $0x1  }
0x99: {  	s4 =	simm.s32 $_scs_section_size  }
0x9a: {  	s5 =	simm.s32 $_size__tile_overlayer_lowered;
	s6 =	simm.s32 $_tile_overlayer_lowered  }
0x9b: {  	s22 =	simm.s32 $0x1BFF;
	s21 =	sshll.u32 s6, $0x1;
	s3 =	sadd.s32 s4, s19  }
0x9c: {  	s7 =	simm.s32 $0x0;
	s20 =	sshll.u32 s5, $0x1;
	s5 =	sadd.s32 s21, s3  }
0x9d: {  	[timem:s7], [sflag:s22] =	dma.local [hbm:s5], s20  }
0x9e: {  	_ =	swait.ge [sflag:s22], s20  }
0x9f: {  	s4 =	ssub.s32 $0x0, s20;
	[sflag:s22] =	ssyncset.done $0x0  }
0xa0: {  	[sflag:s22] =	ssyncadd.s32 s4;
	_ =	sdelay $0x1  }
0xa1: {  	s23 =	simm.s32 $0x1B8B  }
0xa2: {  	_ =	swait.ge [sflag:s23], $0x1  }
0xa3: {  	[sflag:s23] =	ssyncset.done $0x0  }
0xa4: {  	s25 =	simm.s32 $0x1B8E;
	s24 =	sld [smem:$0x3FFE];
	[sflag:s23] =	ssyncadd.s32 $0xFFFFFFFF  }
0xa5: {  	s26 =	simm.s32 $execute0_lowered;
	[smem:$0x3FD2] =	sst s25  }
0xa6: {  	s5 =	sshll.u32 s26, $0x1;
	_ =	strace $0x80000049;
	[dreg:$0x1] =	wrdreg $0xFFFFFFFF  }
0xa7: {  	s28 =	simm.s32 $_size_execute0_lowered;
	s3 =	sadd.s32 s3, s5;
	[dreg:$0x0] =	wrdreg $0x0  }
0xa8: {  	s5 =	sshll.u32 s28, $0x1;
	[dreg:$0x2] =	wrdreg s3  }
0xa9: {  	[dreg:$0x3] =	wrdreg s5  }
0xaa: {  	[dreg:$0x4] =	wrdreg $0xC0  }
0xab: {  	_ =	task [dreg:s7], $0x5FFFF  }
0xac: {  	[dreg:$0x1] =	wrdreg $0xFFFFFFFF  }
0xad: {  	[dreg:$0x0] =	wrdreg $0x60  }
0xae: {  	[dreg:$0x2] =	wrdreg s2  }
0xaf: {  	[dreg:$0x3] =	wrdreg s24  }
0xb0: {  	[dreg:$0x4] =	wrdreg $0xB7800  }
0xb1: {  	[dreg:$0x5] =	wrdreg $0x9  }
0xb2: {  	_ =	task.clear_ibuf [dreg:s7], $0x6FFFF;
	_ =	strace $0x90000049  }
0xb3: {  	s29 =	simm.s32 $0x9;
	_ =	strace $0x8000004B  }
0xb4: {  	_ =	swait.ge [sflag:s29], $0x1  }
0xb5: {  	[sflag:s29] =	ssyncadd.s32 $0xFFFFFFFF  }
0xb6: {  	_ =	strace $0x9000004B  }
0xb7: {  	_ =	sfence  }
0xb8: {  	s30 =	sld [smem:$0x0];
	_ =	sdelay $0x2  }
0xb9: {  	s31 =	sshll.u32 s1, $0xD;
	s1 =	sshrl.u32 s1, $0x2  }
0xba: {  	s3 =	sand.u32 $0x4000, s31;
	s1 =	sadd.s32 s1, s30  }
0xbb: {  	s0 =	sor.u32 s3, s0;
	s1 =	sshll.u32 s1, $0x11  }
0xbc: {  	s0 =	sor.u32 s1, s0  }
0xbd: {  	s0 =	sadd.s32 $0x8F2B, s0  }
0xbe: {  	[sflag:s0] =	ssyncadd.remote.s32 $0x1  }
0xbf: {  	_ =	sfence.sel $0xFFFF  }
0xc0: {  	[dreg:$0x0] =	wrdreg $0xFFFFFFFF;
	(pc) =	sbr.abs _section_cstart, $3  }
0xc1: {  	[dreg:$0x1] =	wrdreg $0xFFFFFFFF  }
0xc2: {  	_ =	task.clear_ibuf [dreg:s7], $0x2FFFF;
	_ =	strace $0x9FFFFFFF  }
0xc3: {  	(tm) =	ssettm $0x7FFFFFFF  }
tec
execute0_lowered:
.L_overlay_start_1:
0x0: {  	(tag) =	ssettag $0x1  }
0x1: {  	s0 =	srdreg.scid;
	s1 =	rddreg [dreg:$0x0]  }
0x2: {  	s11 =	stileid.u32;
	s5 =	rddreg [dreg:$0x1]  }
0x3: {  	s3 =	rddreg [dreg:$0x2];
	s12 =	simm.s32 $0x3;
	s13 =	simm.s32 $0x28  }
0x4: {  	s14 =	simm.s32 $0x6780;
	s15 =	simm.s32 $0x7B80;
	s16 =	simm.s32 $0x50  }
0x5: {  	s17 =	simm.s32 $0x8F80;
	s18 =	simm.s32 $0x78;
	s19 =	simm.s32 $0xA380  }
0x6: {  	s28 =	simm.s32 $0x26E8;
	s29 =	simm.s32 $0x6500;
	s30 =	simm.s32 $0x6580  }
0x7: {  	s31 =	simm.s32 $0x0;
	s0 =	sand.u32 $0x1, s0;
	s21 =	smul.u32 $0x14000, s11  }
0x8: {  	s20 =	sshll.u32 s11, $0x7;
	s22 =	smul.u32 $0x50000, s11;
	s26 =	sshll.u32 s11, $0x6  }
0x9: {  	s2 =	sshll.u32 s0, $0x4;
	s7 =	sand.u32 $0x380, s20;
	s8 =	smul.u32 $0x140000, s0  }
0xa: {  	s0 =	ssub.s32 $0x2, s0;
	s20 =	simm.s32 $0x2780;
	s2 =	sor.u32 s11, s2  }
0xb: {  	s9 =	sshrl.u32 s21, $0x3;
	s23 =	sshrl.u32 s0, $0x1;
	s24 =	sshrl.u32 s22, $0x2  }
0xc: {  	s4 =	sshrl.u32 s2, $0x3;
	s2 =	sshll.u32 s2, $0xB;
	s9 =	sadd.s32 s9, s5  }
0xd: {  	s0 =	ssub.s32 s0, s23;
	s25 =	sadd.s32 s24, s3;
	s23 =	simm.s32 $0x1  }
0xe: {  	s24 =	simm.s32 $0x2;
	s6 =	smul.u32 $0x13C00, s4;
	s4 =	simm.s32 $0x0  }
0xf: {  	s2 =	sadd.s32 s2, s5;
	s22 =	sshrl.u32 s25, $0x3;
	[smem:$0x7FF] =	sst s4  }
0x10: {  	s25 =	simm.s32 $0x6480;
	s6 =	sor.u32 s7, s6;
	_ =	strace $0x8000004A  }
0x11: {  	s7 =	sadd.s32 s21, s8;
	s21 =	sor.u32 $0x1C03, s26;
	s6 =	sshrl.u32 s6, $0x3  }
0x12: {  	s26 =	simm.s32 $0x26C0;
	s7 =	sshrl.u32 s7, $0x3;
	s6 =	sadd.s32 s6, s5  }
0x13: {  	s10 =	sadd.s32 s7, s5;
	s7 =	sadd.s32 $0x2BC00, s9;
	s9 =	smax.u32 s0, $0x1  }
0x14: {  	s5 =	sadd.s32 $0x21E00, s6;
	s6 =	sadd.s32 $0x11C00, s2;
	s8 =	sadd.s32 $0x53C00, s10  }
.LBB2_1:
0x15: {  	s0 =	simm.s32 $0x80;
	s2 =	simm.s32 $0x400  }
0x16: {  	[tilespmem:s4], [sflag:$0x3] =	stream.strided.gather [hbm4b:s5+s0], $0x2780, s2, s0, $0x38;
	[tilespmem:$0x1F780] =	vst v63  }
0x17: {  	_ =	swait.ge [sflag:s12], $0x2780  }
0x18: {  	[sflag:s12] =	ssyncset.done $0x0  }
0x19: {  	[sflag:s12] =	ssyncadd.s32 $0xFFFFD880  }
0x1a: {  	[tilespmem:s14], [sflag:$0x1] =	stream.indirect.gather [hbm4b:s1+s13], $0x80, s4, s13, $0xb8;
	[tilespmem:$0x1F780] =	vst v63  }
0x1b: {  	_ = 	snop  }
0x1c: {  	[tilespmem:s15], [sflag:$0x1] =	stream.indirect.gather [hbm4b:s1+s13], $0x80, s13, s13, $0xb8;
	[tilespmem:$0x1F780] =	vst v63  }
0x1d: {  	_ = 	snop  }
0x1e: {  	[tilespmem:s17], [sflag:$0x2] =	stream.indirect.gather [hbm4b:s1+s13], $0x80, s16, s13, $0xb8;
	[tilespmem:$0x1F780] =	vst v63  }
0x1f: {  	_ = 	snop  }
0x20: {  	[tilespmem:s19], [sflag:$0x2] =	stream.indirect.gather [hbm4b:s1+s13], $0x80, s18, s13, $0xb8;
	[tilespmem:$0x1F780] =	vst v63  }
0x21: {  	_ = 	snop  }
0x22: {  	[tilespmem:s20], [sflag:$0x3] =	stream.linear.gather [hbm4b:s6+s4], $0x3E80, $0x38;
	[tilespmem:$0x1F780] =	vst v63  }
0x23: {  	_ =	swait.ge [sflag:s12], $0x3E80  }
0x24: {  	[sflag:s12] =	ssyncset.done $0x0  }
0x25: {  	[sflag:s12] =	ssyncadd.s32 $0xFFFFC180  }
0x26: {  	[spmem:s22], [sflag:s21] =	dma.local [hbm:s7], $0x2800  }
0x27: {  	_ =	swait.ge [sflag:s12], $0x2800  }
0x28: {  	[sflag:s12] =	ssyncset.done $0x0  }
0x29: {  	[sflag:s12] =	ssyncadd.s32 $0xFFFFD800  }
0x2a: {  	[bflag:$0x0] =	sbarrier.arrive $0xFFFF  }
0x2b: {  	_ =	swait.ge [sflag:s23], $0x1400  }
0x2c: {  	[sflag:s23] =	ssyncset.done $0x0  }
0x2d: {  	[sflag:s23] =	ssyncadd.s32 $0xFFFFEC00  }
0x2e: {  	_ =	swait.ge [sflag:s23], $0x1400  }
0x2f: {  	[sflag:s23] =	ssyncset.done $0x0  }
0x30: {  	s10 =	simm.s32 $0x2780;
	[sflag:s23] =	ssyncadd.s32 $0xFFFFEC00  }
0x31: {  	[spmem:s3] =	stream.indirect.scatter.add.f32 [tilespmem:s14], [sflag:$0x3], $0x80, s10, s16, $0xb8;
	[tilespmem:$0x1F780] =	vst v63  }
0x32: {  	_ =	swait.ge [sflag:s12], $0x2800  }
0x33: {  	[sflag:s12] =	ssyncset.done $0x0  }
0x34: {  	s11 =	simm.s32 $0xA0;
	[sflag:s12] =	ssyncadd.s32 $0xFFFFD800  }
0x35: {  	[tilespmem:s14], [sflag:$0x1] =	stream.indirect.gather [hbm4b:s1+s13], $0x80, s11, s13, $0xb8;
	[tilespmem:$0x1F780] =	vst v63  }
0x36: {  	s2 =	simm.s32 $0xC8  }
0x37: {  	[tilespmem:s15], [sflag:$0x1] =	stream.indirect.gather [hbm4b:s1+s13], $0x80, s2, s13, $0xb8;
	[tilespmem:$0x1F780] =	vst v63  }
0x38: {  	_ =	swait.ge [sflag:s24], $0x1400  }
0x39: {  	[sflag:s24] =	ssyncset.done $0x0  }
0x3a: {  	[sflag:s24] =	ssyncadd.s32 $0xFFFFEC00  }
0x3b: {  	_ =	swait.ge [sflag:s24], $0x1400  }
0x3c: {  	[sflag:s24] =	ssyncset.done $0x0  }
0x3d: {  	s10 =	simm.s32 $0x2800;
	[sflag:s24] =	ssyncadd.s32 $0xFFFFEC00  }
0x3e: {  	[spmem:s3] =	stream.indirect.scatter.add.f32 [tilespmem:s17], [sflag:$0x3], $0x80, s10, s16, $0xb8;
	[tilespmem:$0x1F780] =	vst v63  }
0x3f: {  	_ =	swait.ge [sflag:s12], $0x2800  }
0x40: {  	s0 =	simm.s32 $0x2900;
	s11 =	simm.s32 $0xF0;
	[sflag:s12] =	ssyncset.done $0x0  }
0x41: {  	s2 =	simm.s32 $0x280;
	s10 =	simm.s32 $0x118;
	[sflag:s12] =	ssyncadd.s32 $0xFFFFD800  }
0x42: {  	[tilespmem:s17], [sflag:$0x2] =	stream.indirect.gather [hbm4b:s1+s13], $0x80, s11, s13, $0xb8;
	[tilespmem:$0x1F780] =	vst v63  }
.LBB2_2:
0x43: {  	[tilespmem:s19], [sflag:$0x2] =	stream.indirect.gather [hbm4b:s1+s13], $0x80, s10, s13, $0xb8;
	[tilespmem:$0x1F780] =	vst v63  }
0x44: {  	s10 =	smov.u32 s2  }
0x45: {  	p0 =	sne.s32 s2, $0x9600;
	s2 =	sadd.s32 $0x280, s2;
	_ =	swait.ge [sflag:s23], $0x1400  }
0x46: {  	[sflag:s23] =	ssyncset.done $0x0  }
0x47: {  	[sflag:s23] =	ssyncadd.s32 $0xFFFFEC00  }
0x48: {  	_ =	swait.ge [sflag:s23], $0x1400  }
0x49: {  	[sflag:s23] =	ssyncset.done $0x0  }
0x4a: {  	s11 =	sadd.s32 $0xFFFFFF80, s0;
	[sflag:s23] =	ssyncadd.s32 $0xFFFFEC00  }
0x4b: {  	[spmem:s3] =	stream.indirect.scatter.add.f32 [tilespmem:s14], [sflag:$0x3], $0x80, s11, s16, $0xb8;
	[tilespmem:$0x1F780] =	vst v63  }
0x4c: {  	_ =	swait.ge [sflag:s12], $0x2800  }
0x4d: {  	s10 =	sshra.s32 s10, $0x2;
	[sflag:s12] =	ssyncset.done $0x0  }
0x4e: {  	s11 =	sadd.s32 $0xA0, s10;
	[sflag:s12] =	ssyncadd.s32 $0xFFFFD800  }
0x4f: {  	[tilespmem:s14], [sflag:$0x1] =	stream.indirect.gather [hbm4b:s1+s13], $0x80, s11, s13, $0xb8;
	[tilespmem:$0x1F780] =	vst v63  }
0x50: {  	s11 =	sadd.s32 $0xC8, s10  }
0x51: {  	[tilespmem:s15], [sflag:$0x1] =	stream.indirect.gather [hbm4b:s1+s13], $0x80, s11, s13, $0xb8;
	[tilespmem:$0x1F780] =	vst v63  }
0x52: {  	_ =	swait.ge [sflag:s24], $0x1400  }
0x53: {  	[sflag:s24] =	ssyncset.done $0x0  }
0x54: {  	[sflag:s24] =	ssyncadd.s32 $0xFFFFEC00  }
0x55: {  	_ =	swait.ge [sflag:s24], $0x1400  }
0x56: {  	[sflag:s24] =	ssyncset.done $0x0  }
0x57: {  	[sflag:s24] =	ssyncadd.s32 $0xFFFFEC00  }
0x58: {  	[spmem:s3] =	stream.indirect.scatter.add.f32 [tilespmem:s17], [sflag:$0x3], $0x80, s0, s16, $0xb8;
	[tilespmem:$0x1F780] =	vst v63  }
.Ltmp0:
0x59: {  	_ =	swait.ge [sflag:s12], $0x2800;
	(pc) =	sbr.rel @p0 .LBB2_2-.Ltmp0, $4  }
0x5a: {  	[sflag:s12] =	ssyncset.done $0x0  }
0x5b: {  	s11 =	sadd.s32 $0xF0, s10;
	[sflag:s12] =	ssyncadd.s32 $0xFFFFD800  }
0x5c: {  	[tilespmem:s17], [sflag:$0x2] =	stream.indirect.gather [hbm4b:s1+s13], $0x80, s11, s13, $0xb8;
	[tilespmem:$0x1F780] =	vst v63  }
0x5d: {  	s10 =	sadd.s32 $0x118, s10;
	s0 =	sadd.s32 $0x100, s0  }
0x5e: {  	[tilespmem:s19], [sflag:$0x2] =	stream.indirect.gather [hbm4b:s1+s13], $0x80, s10, s13, $0xb8;
	[tilespmem:$0x1F780] =	vst v63  }
0x5f: {  	_ =	swait.ge [sflag:s23], $0x1400  }
0x60: {  	[sflag:s23] =	ssyncset.done $0x0  }
0x61: {  	[sflag:s23] =	ssyncadd.s32 $0xFFFFEC00  }
0x62: {  	_ =	swait.ge [sflag:s23], $0x1400  }
0x63: {  	[sflag:s23] =	ssyncset.done $0x0  }
0x64: {  	[sflag:s23] =	ssyncadd.s32 $0xFFFFEC00  }
0x65: {  	[spmem:s3] =	stream.indirect.scatter.add.f32 [tilespmem:s14], [sflag:$0x3], $0x80, s25, s16, $0xb8;
	[tilespmem:$0x1F780] =	vst v63  }
0x66: {  	_ =	swait.ge [sflag:s12], $0x2800  }
0x67: {  	[sflag:s12] =	ssyncset.done $0x0  }
0x68: {  	[sflag:s12] =	ssyncadd.s32 $0xFFFFD800  }
0x69: {  	[tilespmem:s14], [sflag:$0x1] =	stream.indirect.gather [hbm4b:s1+s13], $0x80, s26, s13, $0xb8;
	[tilespmem:$0x1F780] =	vst v63  }
0x6a: {  	_ = 	snop  }
0x6b: {  	[tilespmem:s15], [sflag:$0x1] =	stream.indirect.gather [hbm4b:s1+s13], $0x80, s28, s13, $0xb8;
	[tilespmem:$0x1F780] =	vst v63  }
0x6c: {  	_ =	swait.ge [sflag:s24], $0x1400  }
0x6d: {  	[sflag:s24] =	ssyncset.done $0x0  }
0x6e: {  	[sflag:s24] =	ssyncadd.s32 $0xFFFFEC00  }
0x6f: {  	_ =	swait.ge [sflag:s24], $0x1400  }
0x70: {  	[sflag:s24] =	ssyncset.done $0x0  }
0x71: {  	[sflag:s24] =	ssyncadd.s32 $0xFFFFEC00  }
0x72: {  	[spmem:s3] =	stream.indirect.scatter.add.f32 [tilespmem:s17], [sflag:$0x3], $0x80, s29, s16, $0xb8;
	[tilespmem:$0x1F780] =	vst v63  }
0x73: {  	_ =	swait.ge [sflag:s12], $0x2800  }
0x74: {  	[sflag:s12] =	ssyncset.done $0x0  }
0x75: {  	[sflag:s12] =	ssyncadd.s32 $0xFFFFD800  }
0x76: {  	_ =	swait.ge [sflag:s23], $0x1400  }
0x77: {  	[sflag:s23] =	ssyncset.done $0x0  }
0x78: {  	[sflag:s23] =	ssyncadd.s32 $0xFFFFEC00  }
0x79: {  	_ =	swait.ge [sflag:s23], $0x1400  }
0x7a: {  	[sflag:s23] =	ssyncset.done $0x0  }
0x7b: {  	[sflag:s23] =	ssyncadd.s32 $0xFFFFEC00  }
0x7c: {  	[spmem:s3] =	stream.indirect.scatter.add.f32 [tilespmem:s14], [sflag:$0x3], $0x80, s30, s16, $0xb8;
	[tilespmem:$0x1F780] =	vst v63  }
0x7d: {  	_ =	swait.ge [sflag:s12], $0x2800  }
0x7e: {  	s31 =	sadd.s32 $0x1, s31;
	[sflag:s12] =	ssyncset.done $0x0  }
0x7f: {  	p0 =	sne.s32 s31, s9;
	[sflag:s12] =	ssyncadd.s32 $0xFFFFD800  }
.Ltmp1:
0x80: {  	[bflag:$0x0] =	sbarrier.arrive $0xFFFF;
	(pc) =	sbr.rel @p0 .LBB2_1-.Ltmp1, $4  }
0x81: {  	[hbm:s8], [sflag:s21] =	dma.local [spmem:s22], $0x2800  }
0x82: {  	_ =	swait.ge [sflag:s12], $0x2800  }
0x83: {  	[sflag:s12] =	ssyncset.done $0x0  }
0x84: {  	[sflag:s12] =	ssyncadd.s32 $0xFFFFD800  }
0x85: {  	_ =	sfence.sel $0x180000  }
0x86: {  	[bflag:$0x0] =	sbarrier.arrive $0xFFFF  }
0x87: {  	_ =	strace $0x9000004A  }
0x88: {  	s0 =	stileid.u32;
	[bflag:$0x2] =	sbarrier.arrive $0xFFFF  }
0x89: {  	p0 =	sne.s32 s0, $0x0;
	s0 =	rddreg [dreg:$0x3]  }
0x8a: {  	s0 =	sadd.s32 @!p0 $0x100000, s0  }
0x8b: {  	[sflag:s0] =	ssyncadd.tile.s32 @!p0 $0x1;
	_ =	shalt  }
.Lfunc_end2:
_tile_overlayer_lowered:
.L_overlay_start_2:
0x8c: {  	(tag) =	ssettag $0x2  }
0x8d: {  	s0 =	rddreg [dreg:$0x0];
	s2 =	stileid.u32  }
0x8e: {  	s1 =	rddreg [dreg:$0x1];
	p0 =	sne.s32 s2, $0x0  }
0x8f: {  	s3 =	rddreg [dreg:$0x2];
	[bflag:$0x3] =	sbarrier.arrive $0xFFFF;
	s2 =	simm.s32 @!p0 $0x1C03  }
0x90: {  	[timem:s3], [sflag:s2] =	dma.local @!p0 [hbm:s0], s1  }
0x91: {  	s0 =	simm.s32 @!p0 $0x3  }
0x92: {  	_ =	swait.ge @!p0 [sflag:s0], s1  }
0x93: {  	s1 =	ssub.s32 @!p0 $0x0, s1;
	[sflag:s0] =	ssyncset.done @!p0 $0x0  }
0x94: {  	[sflag:s0] =	ssyncadd.s32 @!p0 s1  }
0x95: {  	[bflag:$0x3] =	sbarrier.arrive $0xFFFF  }
0x96: {  	_ =	shalt  }

</sc_bundles>
